<compile_context>
chip_gen: v7x
topology: tpu7x:2x2x1
jax: 0.10.2.dev20260603
libtpu: 0.0.44.dev20260713+nightly
codegen_flags: <defaults>
</compile_context>

<pallas_src>
import functools

import jax
import jax.numpy as jnp
from jax import lax
from jax.experimental import pallas as pl
from jax.experimental.pallas import tpu as pltpu
from jax.experimental.pallas import tpu_sc as plsc

NC = 2
NS = 16
EB1 = 400
EB2 = 2000


def _round_up(a, b):
    return (a + b - 1) // b * b


def _sc_mesh():
    return plsc.VectorSubcoreMesh(
        core_axis_name="c", subcore_axis_name="s", num_cores=NC, num_subcores=NS
    )


_SC_PARAMS = pltpu.CompilerParams(use_tc_tiling_on_sc=False)


def _make_deg_kernel(NP, EP, D, EB):
    EW = EP // (NC * NS)
    NB = EW // EB
    RB = NP // NS

    @functools.partial(
        pl.kernel,
        out_type=jax.ShapeDtypeStruct((NC * NP, D), jnp.float32),
        mesh=_sc_mesh(),
        scratch_types=[
            pltpu.VMEM((EB,), jnp.int32),
            pltpu.VMEM((EB,), jnp.int32),
            pltpu.VMEM((EB, D), jnp.float32),
            pltpu.VMEM_SHARED((NP, D), jnp.float32),
            pltpu.SemaphoreType.DMA,
            pltpu.SemaphoreType.DMA,
        ],
        compiler_params=_SC_PARAMS,
    )
    def deg_kernel(dst1_hbm, ones_hbm, z_hbm, out_hbm, idst0, idst1, ones_v,
                   acc, lsem, ssem):
        c = lax.axis_index("c")
        s = lax.axis_index("s")
        wid = s * NC + c
        pltpu.sync_copy(z_hbm.at[pl.ds(s * RB, RB)], acc.at[pl.ds(s * RB, RB)])
        pltpu.sync_copy(ones_hbm, ones_v)
        plsc.subcore_barrier()

        base = wid * EW
        pltpu.sync_copy(dst1_hbm.at[pl.ds(base, EB)], idst0)

        @pl.loop(0, NB // 2)
        def _(t):
            for p in (0, 1):
                b = 2 * t + p
                idsp, idsq = (idst0, idst1) if p == 0 else (idst1, idst0)

                @pl.when(b > 0)
                def _():
                    pltpu.make_async_copy(ones_v, acc.at[idsq], ssem).wait()

                @pl.when(b + 1 < NB)
                def _():
                    pltpu.async_copy(
                        dst1_hbm.at[pl.ds(base + (b + 1) * EB, EB)],
                        idsq, lsem,
                    )

                pltpu.async_copy(ones_v, acc.at[idsp], ssem, add=True)

                @pl.when(b + 1 < NB)
                def _():
                    pltpu.make_async_copy(
                        dst1_hbm.at[pl.ds(0, EB)], idsq, lsem
                    ).wait()

        pltpu.make_async_copy(ones_v, acc.at[idst1], ssem).wait()

        plsc.subcore_barrier()
        pltpu.sync_copy(
            acc.at[pl.ds(s * RB, RB)], out_hbm.at[pl.ds(c * NP + s * RB, RB)]
        )

    return deg_kernel


def _make_agg_kernel(NP, EP, D, EB):
    EW = EP // (NC * NS)
    NB = EW // EB
    RB = NP // NS

    @functools.partial(
        pl.kernel,
        out_type=jax.ShapeDtypeStruct((NC * NP, D), jnp.float32),
        mesh=_sc_mesh(),
        scratch_types=[
            pltpu.VMEM((EB,), jnp.int32),
            pltpu.VMEM((EB,), jnp.int32),
            pltpu.VMEM((EB,), jnp.int32),
            pltpu.VMEM((EB,), jnp.int32),
            pltpu.VMEM((EB, D), jnp.float32),
            pltpu.VMEM((EB, D), jnp.float32),
            pltpu.VMEM_SHARED((NP, D), jnp.float32),
            pltpu.SemaphoreType.DMA,
            pltpu.SemaphoreType.DMA,
            pltpu.SemaphoreType.DMA,
        ],
        compiler_params=_SC_PARAMS,
    )
    def agg_kernel(src1_hbm, dst1_hbm, u_hbm, z_hbm, out_hbm,
                   isrc0, isrc1, idst0, idst1, rows0, rows1, acc,
                   lsem, gsem, ssem):
        c = lax.axis_index("c")
        s = lax.axis_index("s")
        wid = s * NC + c
        pltpu.sync_copy(z_hbm.at[pl.ds(s * RB, RB)], acc.at[pl.ds(s * RB, RB)])
        plsc.subcore_barrier()

        base = wid * EW
        pltpu.sync_copy(src1_hbm.at[pl.ds(base, EB)], isrc0)
        pltpu.sync_copy(dst1_hbm.at[pl.ds(base, EB)], idst0)
        pltpu.async_copy(u_hbm.at[isrc0], rows0, gsem)

        @pl.loop(0, NB // 2)
        def _(t):
            for p in (0, 1):
                b = 2 * t + p
                isp, isq = (isrc0, isrc1) if p == 0 else (isrc1, isrc0)
                idsp, idsq = (idst0, idst1) if p == 0 else (idst1, idst0)
                rsp, rsq = (rows0, rows1) if p == 0 else (rows1, rows0)

                @pl.when(b > 0)
                def _():
                    pltpu.make_async_copy(rsq, acc.at[idsq], ssem).wait()

                @pl.when(b + 1 < NB)
                def _():
                    pltpu.async_copy(
                        src1_hbm.at[pl.ds(base + (b + 1) * EB, EB)],
                        isq, lsem,
                    )
                    pltpu.async_copy(
                        dst1_hbm.at[pl.ds(base + (b + 1) * EB, EB)],
                        idsq, lsem,
                    )

                pltpu.make_async_copy(u_hbm.at[isp], rsp, gsem).wait()
                pltpu.async_copy(rsp, acc.at[idsp], ssem, add=True)

                @pl.when(b + 1 < NB)
                def _():
                    pltpu.make_async_copy(
                        src1_hbm.at[pl.ds(0, EB)], isq, lsem
                    ).wait()
                    pltpu.make_async_copy(
                        dst1_hbm.at[pl.ds(0, EB)], idsq, lsem
                    ).wait()
                    pltpu.async_copy(u_hbm.at[isq], rsq, gsem)

        if NB % 2:
            pltpu.make_async_copy(rows1, acc.at[idst1], ssem).wait()
            pltpu.make_async_copy(u_hbm.at[isrc0], rows0, gsem).wait()
            pltpu.async_copy(rows0, acc.at[idst0], ssem, add=True)
            pltpu.make_async_copy(rows0, acc.at[idst0], ssem).wait()
        else:
            pltpu.make_async_copy(rows1, acc.at[idst1], ssem).wait()

        plsc.subcore_barrier()
        pltpu.sync_copy(
            acc.at[pl.ds(s * RB, RB)], out_hbm.at[pl.ds(c * NP + s * RB, RB)]
        )

    return agg_kernel


def _tc1_body(d0, d1, x, e16, w, o):
    s = d0[...] + d1[...]
    dv16 = lax.rsqrt(
        jnp.dot(s, e16[...], preferred_element_type=jnp.float32) + 1.0)
    o[...] = jnp.dot(x[...], w[...],
                     preferred_element_type=jnp.float32) * dv16


def _tc2_body(d0, d1, a0, a1, u1, e16, w, b, o):
    s = d0[...] + d1[...]
    dv16 = lax.rsqrt(
        jnp.dot(s, e16[...], preferred_element_type=jnp.float32) + 1.0)
    dv8 = lax.rsqrt(s + 1.0)
    t = dv16 * (a0[...] + a1[...] + u1[...]) + b[...]
    r = jnp.maximum(t, 0.0)
    o[...] = jnp.dot(r, w[...], preferred_element_type=jnp.float32) * dv8


def _tc3_body(d0, d1, c0, c1, u2, b, o):
    dv8 = lax.rsqrt(d0[...] + d1[...] + 1.0)
    o[...] = dv8 * (c0[...] + c1[...] + u2[...]) + b[...]


def _half(bh, w, off):
    return pl.BlockSpec((bh, w), lambda i, o=off: (i + o, 0))


def _mat(bh, w):
    return pl.BlockSpec((bh, w), lambda i: (i, 0))


def _full(shape):
    return pl.BlockSpec(shape, lambda i: tuple(0 for _ in shape))


def kernel(x, edge_index, W1, b1, W2, b2):
    N, IN_D = x.shape
    HID = W1.shape[1]
    OUT = W2.shape[1]
    E = edge_index.shape[1]

    NP = _round_up(N + 1, NS * 8 * 56)
    QR = NP // 16
    GRIDQ = 7
    BH = QR // GRIDQ
    EP = _round_up(E, NC * NS * 2 * EB1 * EB2 // 400)

    f32 = jnp.float32
    ei = edge_index.astype(jnp.int32)
    if EP > E:
        ei = jnp.concatenate([ei, jnp.full((2, EP - E), N, jnp.int32)], axis=1)
    src1 = ei[0]
    dst1 = ei[1]
    z16 = jnp.zeros((NP, HID), f32)
    z8 = jnp.zeros((NP, OUT), f32)
    ones8 = jnp.ones((EB2, OUT), f32)
    x256 = x.astype(f32).reshape(N * IN_D // 256, 256)
    eye16 = jnp.eye(16, dtype=f32)
    E16 = jnp.kron(eye16, jnp.ones((OUT, HID), f32) / OUT)
    W1bd = jnp.kron(eye16, W1.astype(f32))
    W2bd = jnp.kron(eye16, W2.astype(f32))
    b1t = jnp.tile(b1.astype(f32), (16,)).reshape(1, 16 * HID)
    b2t = jnp.tile(b2.astype(f32), (16,)).reshape(1, 16 * OUT)

    degb = _make_deg_kernel(NP, EP, OUT, EB2)(dst1, ones8, z8)
    degq = degb.reshape(NC * QR, 16 * OUT)

    u1 = pl.pallas_call(
        _tc1_body,
        grid=(GRIDQ,),
        in_specs=[_half(BH, 128, 0), _half(BH, 128, GRIDQ), _mat(BH, 256),
                  _full((128, 256)), _full((256, 256))],
        out_specs=_mat(BH, 256),
        out_shape=jax.ShapeDtypeStruct((QR, 256), f32),
    )(degq, degq, x256, E16, W1bd)

    agg1 = _make_agg_kernel(NP, EP, HID, EB1)(src1, dst1, u1.reshape(NP, HID),
                                            z16)
    agg1q = agg1.reshape(NC * QR, 16 * HID)

    u2 = pl.pallas_call(
        _tc2_body,
        grid=(GRIDQ,),
        in_specs=[_half(BH, 128, 0), _half(BH, 128, GRIDQ),
                  _half(BH, 256, 0), _half(BH, 256, GRIDQ), _mat(BH, 256),
                  _full((128, 256)), _full((256, 128)), _full((1, 256))],
        out_specs=_mat(BH, 128),
        out_shape=jax.ShapeDtypeStruct((QR, 128), f32),
    )(degq, degq, agg1q, agg1q, u1, E16, W2bd, b1t)

    agg2 = _make_agg_kernel(NP, EP, OUT, EB2)(src1, dst1, u2.reshape(NP, OUT),
                                              z8)
    agg2q = agg2.reshape(NC * QR, 16 * OUT)

    opk = pl.pallas_call(
        _tc3_body,
        grid=(GRIDQ,),
        in_specs=[_half(BH, 128, 0), _half(BH, 128, GRIDQ),
                  _half(BH, 128, 0), _half(BH, 128, GRIDQ), _mat(BH, 128),
                  _full((1, 128))],
        out_specs=_mat(BH, 128),
        out_shape=jax.ShapeDtypeStruct((QR, 128), f32),
    )(degq, degq, agg2q, agg2q, u2, b2t)

    return opk[:N * OUT // 128].reshape(N, OUT)

# --- scband reference (transcript-rebuilt; emitter-appended) ---
"""Pipeline reference for scband-simple-gnn-37022618091718 (READ-ONLY COPY).

The authoritative reference and input builder live on the scoring server;
editing this copy changes nothing except your own understanding.
"""

import jax, jax.numpy as jnp
import numpy as np

N = 100000
E = 3200000
IN_DIM = 16
HID_DIM = 16
OUT_DIM = 8


def setup_inputs(seed: int = 0) -> dict:
    key = jax.random.key(seed)
    ks = jax.random.split(key, 7)
    x = jax.random.normal(ks[0], (N, IN_DIM), dtype=jnp.float32)
    edge_index = jax.random.randint(ks[1], (2, E), 0, N, dtype=jnp.int32)
    # GCNConv layer 1 params (glorot-ish init)
    W1 = jax.random.normal(ks[2], (IN_DIM, HID_DIM), dtype=jnp.float32) * (1.0 / np.sqrt(IN_DIM))
    b1 = jnp.zeros((HID_DIM,), dtype=jnp.float32)
    # GCNConv layer 2 params
    W2 = jax.random.normal(ks[3], (HID_DIM, OUT_DIM), dtype=jnp.float32) * (1.0 / np.sqrt(HID_DIM))
    b2 = jnp.zeros((OUT_DIM,), dtype=jnp.float32)
    return {"x": x, "edge_index": edge_index, "W1": W1, "b1": b1, "W2": W2, "b2": b2}


def _gcn_conv(x, edge_index, W, b):
    # PyG GCNConv: add self-loops, symmetric normalization D^-1/2 (A+I) D^-1/2 X W + b
    src = edge_index[0]
    dst = edge_index[1]
    loop = jnp.arange(N, dtype=src.dtype)
    src = jnp.concatenate([src, loop])
    dst = jnp.concatenate([dst, loop])
    deg = jnp.zeros((N,), dtype=x.dtype).at[dst].add(1.0)
    dinv = jnp.where(deg > 0, jax.lax.rsqrt(jnp.maximum(deg, 1e-12)), 0.0)
    norm = dinv[src] * dinv[dst]
    h = x @ W
    msg = h[src] * norm[:, None]
    out = jnp.zeros((N, h.shape[1]), dtype=x.dtype).at[dst].add(msg)
    return out + b


def reference(x, edge_index, W1, b1, W2, b2):
    h = _gcn_conv(x, edge_index, W1, b1)
    h = jax.nn.relu(h)
    # dropout is identity in eval mode
    out = _gcn_conv(h, edge_index, W2, b2)
    return out

if __name__ == "__main__":
    import jax
    _d = setup_inputs()
    print(jax.jit(kernel)(*tuple(_d.values())))

</pallas_src>

<mosaic_0001>
#map = affine_map<(d0, d1) -> (0)>
#map1 = affine_map<(d0, d1) -> (0, 0)>
module attributes {stable_mosaic.version = 14 : i64} {
  func.func @deg_kernel(%arg0: i32, %arg1: i32, %arg2: memref<3200000xi32, #tpu.memory_space<hbm>>, %arg3: memref<2000x8xf32, #tpu.memory_space<hbm>>, %arg4: memref<100352x8xf32, #tpu.memory_space<hbm>>, %arg5: memref<200704x8xf32, #tpu.memory_space<hbm>>, %arg6: memref<2000xi32, #tpu.memory_space<vmem>>, %arg7: memref<2000xi32, #tpu.memory_space<vmem>>, %arg8: memref<2000x8xf32, #tpu.memory_space<vmem>>, %arg9: memref<100352x8xf32, #tpu.memory_space<vmem_shared>>, %arg10: memref<!tpu.dma_semaphore, #tpu.memory_space<semaphore_mem>>, %arg11: memref<!tpu.dma_semaphore, #tpu.memory_space<semaphore_mem>>) attributes {dimension_semantics = [#tpu.dimension_semantics<core_parallel>, #tpu.dimension_semantics<subcore_parallel>], iteration_bounds = array<i64: 2, 16>, scalar_prefetch = 0 : i64, scratch_operands = 6 : i64, tpu.core_type = #tpu.core_type<sc_vector_subcore>, window_params = [{transform_indices = #map}, {transform_indices = #map1}, {transform_indices = #map1}, {transform_indices = #map1}]} {
    %mul3A = arith.constant 2 : i32
    %mul3A_0 = arith.muli %arg1, %mul3A : i32
    %add3A = arith.addi %mul3A_0, %arg0 : i32
    %mul3A_1 = arith.constant 6272 : i32
    %mul3A_2 = arith.muli %arg1, %mul3A_1 : i32
    %mul3A_3 = arith.constant 6272 : i32
    %mul3A_4 = arith.muli %arg1, %mul3A_3 : i32
    "tpu.region"() ({
      %run_scoped3A = tpu.sem_alloc : memref<!tpu.dma_semaphore, #tpu.memory_space<semaphore_mem>>
      %dma_start3A = arith.constant 0 : i32
      %dma_start3A_21 = tpu.memref_slice %arg9[%mul3A_4, %dma_start3A] : memref<100352x8xf32, #tpu.memory_space<vmem_shared>> -> memref<6272x8xf32, #tpu.memory_space<vmem_shared>>
      %dma_start3A_22 = arith.constant 0 : i32
      %dma_start3A_23 = tpu.memref_slice %arg4[%mul3A_2, %dma_start3A_22] : memref<100352x8xf32, #tpu.memory_space<hbm>> -> memref<6272x8xf32, #tpu.memory_space<hbm>>
      tpu.enqueue_dma source(%dma_start3A_23 : memref<6272x8xf32, #tpu.memory_space<hbm>>) target(%dma_start3A_21 : memref<6272x8xf32, #tpu.memory_space<vmem_shared>>) target_semaphore(%run_scoped3A : memref<!tpu.dma_semaphore, #tpu.memory_space<semaphore_mem>>)
      %dma_wait3A_24 = arith.constant 0 : i32
      %dma_wait3A_25 = tpu.memref_slice %arg9[%mul3A_4, %dma_wait3A_24] : memref<100352x8xf32, #tpu.memory_space<vmem_shared>> -> memref<6272x8xf32, #tpu.memory_space<vmem_shared>>
      %dma_wait3A_26 = arith.constant 0 : i32
      %dma_wait3A_27 = tpu.memref_slice %arg4[%mul3A_2, %dma_wait3A_26] : memref<100352x8xf32, #tpu.memory_space<hbm>> -> memref<6272x8xf32, #tpu.memory_space<hbm>>
      tpu.wait_dma2 semaphore(%run_scoped3A : memref<!tpu.dma_semaphore, #tpu.memory_space<semaphore_mem>>) src(%dma_wait3A_27 : memref<6272x8xf32, #tpu.memory_space<hbm>>) dst(%dma_wait3A_25 : memref<6272x8xf32, #tpu.memory_space<vmem_shared>>)
      tpu.yield
    }) : () -> ()
    "tpu.region"() ({
      %run_scoped3A = tpu.sem_alloc : memref<!tpu.dma_semaphore, #tpu.memory_space<semaphore_mem>>
      tpu.enqueue_dma source(%arg3 : memref<2000x8xf32, #tpu.memory_space<hbm>>) target(%arg8 : memref<2000x8xf32, #tpu.memory_space<vmem>>) target_semaphore(%run_scoped3A : memref<!tpu.dma_semaphore, #tpu.memory_space<semaphore_mem>>)
      tpu.wait_dma2 semaphore(%run_scoped3A : memref<!tpu.dma_semaphore, #tpu.memory_space<semaphore_mem>>) src(%arg3 : memref<2000x8xf32, #tpu.memory_space<hbm>>) dst(%arg8 : memref<2000x8xf32, #tpu.memory_space<vmem>>)
      tpu.yield
    }) : () -> ()
    %barrier3A = arith.constant 0 : index
    tpu.barrier barrier_id(%barrier3A)
    %mul3A_5 = arith.constant 100000 : i32
    %mul3A_6 = arith.muli %add3A, %mul3A_5 : i32
    "tpu.region"() ({
      %run_scoped3A = tpu.sem_alloc : memref<!tpu.dma_semaphore, #tpu.memory_space<semaphore_mem>>
      %dma_start3A = tpu.memref_slice %arg2[%mul3A_6] : memref<3200000xi32, #tpu.memory_space<hbm>> -> memref<2000xi32, #tpu.memory_space<hbm>>
      %dma_start3A_21 = tpu.memref_slice %arg2[%mul3A_6] : memref<3200000xi32, #tpu.memory_space<hbm>> -> memref<2000xi32, #tpu.memory_space<hbm>>
      tpu.enqueue_dma source(%dma_start3A_21 : memref<2000xi32, #tpu.memory_space<hbm>>) target(%arg6 : memref<2000xi32, #tpu.memory_space<vmem>>) target_semaphore(%run_scoped3A : memref<!tpu.dma_semaphore, #tpu.memory_space<semaphore_mem>>)
      %dma_wait3A_22 = tpu.memref_slice %arg2[%mul3A_6] : memref<3200000xi32, #tpu.memory_space<hbm>> -> memref<2000xi32, #tpu.memory_space<hbm>>
      %dma_wait3A_23 = tpu.memref_slice %arg2[%mul3A_6] : memref<3200000xi32, #tpu.memory_space<hbm>> -> memref<2000xi32, #tpu.memory_space<hbm>>
      tpu.wait_dma2 semaphore(%run_scoped3A : memref<!tpu.dma_semaphore, #tpu.memory_space<semaphore_mem>>) src(%dma_wait3A_23 : memref<2000xi32, #tpu.memory_space<hbm>>) dst(%arg6 : memref<2000xi32, #tpu.memory_space<vmem>>)
      tpu.yield
    }) : () -> ()
    %scan3A = arith.constant 0 : i32
    %scan3A_7 = arith.constant 25 : i32
    %scan3A_8 = arith.addi %scan3A, %scan3A_7 : i32
    %scan3A_9 = arith.constant 1 : i32
    scf.for %scan3A_21 = %scan3A to %scan3A_8 step %scan3A_9  : i32 {
      %mul3A_22 = arith.constant 1 : i32
      %mul3A_23 = arith.muli %scan3A_21, %mul3A_22 : i32
      %add3A_24 = arith.constant 0 : i32
      %add3A_25 = arith.addi %add3A_24, %mul3A_23 : i32
      %mul3A_26 = arith.constant 2 : i32
      %mul3A_27 = arith.muli %mul3A_26, %add3A_25 : i32
      %add3A_28 = arith.constant 0 : i32
      %add3A_29 = arith.addi %mul3A_27, %add3A_28 : i32
      %gt3A = arith.constant 0 : i32
      %gt3A_30 = arith.cmpi sgt, %add3A_29, %gt3A : i32
      %convert_element_type3A = arith.extui %gt3A_30 : i1 to i32
      %cond3A = arith.constant 0 : i32
      %cond3A_31 = arith.cmpi ne, %convert_element_type3A, %cond3A : i32
      scf.if %cond3A_31 {
        %dma_wait3A_73 = arith.constant 0 : i32
        %dma_wait3A_74 = arith.constant 0 : i32
        %dma_wait3A_75 = tpu.memref_slice %arg9[%dma_wait3A_73, %dma_wait3A_74] : memref<100352x8xf32, #tpu.memory_space<vmem_shared>> -> memref<100352x8xf32, #tpu.memory_space<vmem_shared>>
        tpu.wait_indirect_dma semaphore(%arg11 : memref<!tpu.dma_semaphore, #tpu.memory_space<semaphore_mem>>) src(%arg8 : memref<2000x8xf32, #tpu.memory_space<vmem>>) dst(%dma_wait3A_75 : memref<100352x8xf32, #tpu.memory_space<vmem_shared>>)
      } else {
      }
      %add3A_32 = arith.constant 1 : i32
      %add3A_33 = arith.addi %add3A_29, %add3A_32 : i32
      %lt3A = arith.constant 50 : i32
      %lt3A_34 = arith.cmpi slt, %add3A_33, %lt3A : i32
      %convert_element_type3A_35 = arith.extui %lt3A_34 : i1 to i32
      %cond3A_36 = arith.constant 0 : i32
      %cond3A_37 = arith.cmpi ne, %convert_element_type3A_35, %cond3A_36 : i32
      scf.if %cond3A_37 {
        %add3A_73 = arith.constant 1 : i32
        %add3A_74 = arith.addi %add3A_29, %add3A_73 : i32
        %mul3A_75 = arith.constant 2000 : i32
        %mul3A_76 = arith.muli %add3A_74, %mul3A_75 : i32
        %add3A_77 = arith.addi %mul3A_6, %mul3A_76 : i32
        %dma_start3A_78 = tpu.memref_slice %arg2[%add3A_77] : memref<3200000xi32, #tpu.memory_space<hbm>> -> memref<2000xi32, #tpu.memory_space<hbm>>
        %dma_start3A_79 = tpu.memref_slice %arg2[%add3A_77] : memref<3200000xi32, #tpu.memory_space<hbm>> -> memref<2000xi32, #tpu.memory_space<hbm>>
        tpu.enqueue_dma source(%dma_start3A_79 : memref<2000xi32, #tpu.memory_space<hbm>>) target(%arg7 : memref<2000xi32, #tpu.memory_space<vmem>>) target_semaphore(%arg10 : memref<!tpu.dma_semaphore, #tpu.memory_space<semaphore_mem>>)
      } else {
      }
      %dma_start3A = arith.constant 0 : i32
      %dma_start3A_38 = arith.constant 0 : i32
      %dma_start3A_39 = tpu.memref_slice %arg9[%dma_start3A, %dma_start3A_38] : memref<100352x8xf32, #tpu.memory_space<vmem_shared>> -> memref<100352x8xf32, #tpu.memory_space<vmem_shared>>
      tpu.enqueue_indirect_dma source(%arg8 : memref<2000x8xf32, #tpu.memory_space<vmem>>) target(%dma_start3A_39 : memref<100352x8xf32, #tpu.memory_space<vmem_shared>>) offsets(%arg6 : memref<2000xi32, #tpu.memory_space<vmem>>) semaphore(%arg11 : memref<!tpu.dma_semaphore, #tpu.memory_space<semaphore_mem>>) {add = true}
      %add3A_40 = arith.constant 1 : i32
      %add3A_41 = arith.addi %add3A_29, %add3A_40 : i32
      %lt3A_42 = arith.constant 50 : i32
      %lt3A_43 = arith.cmpi slt, %add3A_41, %lt3A_42 : i32
      %convert_element_type3A_44 = arith.extui %lt3A_43 : i1 to i32
      %cond3A_45 = arith.constant 0 : i32
      %cond3A_46 = arith.cmpi ne, %convert_element_type3A_44, %cond3A_45 : i32
      scf.if %cond3A_46 {
        %dma_wait3A_73 = arith.constant 0 : i32
        %dma_wait3A_74 = tpu.memref_slice %arg2[%dma_wait3A_73] : memref<3200000xi32, #tpu.memory_space<hbm>> -> memref<2000xi32, #tpu.memory_space<hbm>>
        %dma_wait3A_75 = arith.constant 0 : i32
        %dma_wait3A_76 = tpu.memref_slice %arg2[%dma_wait3A_75] : memref<3200000xi32, #tpu.memory_space<hbm>> -> memref<2000xi32, #tpu.memory_space<hbm>>
        tpu.wait_dma2 semaphore(%arg10 : memref<!tpu.dma_semaphore, #tpu.memory_space<semaphore_mem>>) src(%dma_wait3A_76 : memref<2000xi32, #tpu.memory_space<hbm>>) dst(%arg7 : memref<2000xi32, #tpu.memory_space<vmem>>)
      } else {
      }
      %mul3A_47 = arith.constant 2 : i32
      %mul3A_48 = arith.muli %mul3A_47, %add3A_25 : i32
      %add3A_49 = arith.constant 1 : i32
      %add3A_50 = arith.addi %mul3A_48, %add3A_49 : i32
      %gt3A_51 = arith.constant 0 : i32
      %gt3A_52 = arith.cmpi sgt, %add3A_50, %gt3A_51 : i32
      %convert_element_type3A_53 = arith.extui %gt3A_52 : i1 to i32
      %cond3A_54 = arith.constant 0 : i32
      %cond3A_55 = arith.cmpi ne, %convert_element_type3A_53, %cond3A_54 : i32
      scf.if %cond3A_55 {
        %dma_wait3A_73 = arith.constant 0 : i32
        %dma_wait3A_74 = arith.constant 0 : i32
        %dma_wait3A_75 = tpu.memref_slice %arg9[%dma_wait3A_73, %dma_wait3A_74] : memref<100352x8xf32, #tpu.memory_space<vmem_shared>> -> memref<100352x8xf32, #tpu.memory_space<vmem_shared>>
        tpu.wait_indirect_dma semaphore(%arg11 : memref<!tpu.dma_semaphore, #tpu.memory_space<semaphore_mem>>) src(%arg8 : memref<2000x8xf32, #tpu.memory_space<vmem>>) dst(%dma_wait3A_75 : memref<100352x8xf32, #tpu.memory_space<vmem_shared>>)
      } else {
      }
      %add3A_56 = arith.constant 1 : i32
      %add3A_57 = arith.addi %add3A_50, %add3A_56 : i32
      %lt3A_58 = arith.constant 50 : i32
      %lt3A_59 = arith.cmpi slt, %add3A_57, %lt3A_58 : i32
      %convert_element_type3A_60 = arith.extui %lt3A_59 : i1 to i32
      %cond3A_61 = arith.constant 0 : i32
      %cond3A_62 = arith.cmpi ne, %convert_element_type3A_60, %cond3A_61 : i32
      scf.if %cond3A_62 {
        %add3A_73 = arith.constant 1 : i32
        %add3A_74 = arith.addi %add3A_50, %add3A_73 : i32
        %mul3A_75 = arith.constant 2000 : i32
        %mul3A_76 = arith.muli %add3A_74, %mul3A_75 : i32
        %add3A_77 = arith.addi %mul3A_6, %mul3A_76 : i32
        %dma_start3A_78 = tpu.memref_slice %arg2[%add3A_77] : memref<3200000xi32, #tpu.memory_space<hbm>> -> memref<2000xi32, #tpu.memory_space<hbm>>
        %dma_start3A_79 = tpu.memref_slice %arg2[%add3A_77] : memref<3200000xi32, #tpu.memory_space<hbm>> -> memref<2000xi32, #tpu.memory_space<hbm>>
        tpu.enqueue_dma source(%dma_start3A_79 : memref<2000xi32, #tpu.memory_space<hbm>>) target(%arg6 : memref<2000xi32, #tpu.memory_space<vmem>>) target_semaphore(%arg10 : memref<!tpu.dma_semaphore, #tpu.memory_space<semaphore_mem>>)
      } else {
      }
      %dma_start3A_63 = arith.constant 0 : i32
      %dma_start3A_64 = arith.constant 0 : i32
      %dma_start3A_65 = tpu.memref_slice %arg9[%dma_start3A_63, %dma_start3A_64] : memref<100352x8xf32, #tpu.memory_space<vmem_shared>> -> memref<100352x8xf32, #tpu.memory_space<vmem_shared>>
      tpu.enqueue_indirect_dma source(%arg8 : memref<2000x8xf32, #tpu.memory_space<vmem>>) target(%dma_start3A_65 : memref<100352x8xf32, #tpu.memory_space<vmem_shared>>) offsets(%arg7 : memref<2000xi32, #tpu.memory_space<vmem>>) semaphore(%arg11 : memref<!tpu.dma_semaphore, #tpu.memory_space<semaphore_mem>>) {add = true}
      %add3A_66 = arith.constant 1 : i32
      %add3A_67 = arith.addi %add3A_50, %add3A_66 : i32
      %lt3A_68 = arith.constant 50 : i32
      %lt3A_69 = arith.cmpi slt, %add3A_67, %lt3A_68 : i32
      %convert_element_type3A_70 = arith.extui %lt3A_69 : i1 to i32
      %cond3A_71 = arith.constant 0 : i32
      %cond3A_72 = arith.cmpi ne, %convert_element_type3A_70, %cond3A_71 : i32
      scf.if %cond3A_72 {
        %dma_wait3A_73 = arith.constant 0 : i32
        %dma_wait3A_74 = tpu.memref_slice %arg2[%dma_wait3A_73] : memref<3200000xi32, #tpu.memory_space<hbm>> -> memref<2000xi32, #tpu.memory_space<hbm>>
        %dma_wait3A_75 = arith.constant 0 : i32
        %dma_wait3A_76 = tpu.memref_slice %arg2[%dma_wait3A_75] : memref<3200000xi32, #tpu.memory_space<hbm>> -> memref<2000xi32, #tpu.memory_space<hbm>>
        tpu.wait_dma2 semaphore(%arg10 : memref<!tpu.dma_semaphore, #tpu.memory_space<semaphore_mem>>) src(%dma_wait3A_76 : memref<2000xi32, #tpu.memory_space<hbm>>) dst(%arg6 : memref<2000xi32, #tpu.memory_space<vmem>>)
      } else {
      }
    }
    %scan3A_10 = arith.constant 25 : i32
    %dma_wait3A = arith.constant 0 : i32
    %dma_wait3A_11 = arith.constant 0 : i32
    %dma_wait3A_12 = tpu.memref_slice %arg9[%dma_wait3A, %dma_wait3A_11] : memref<100352x8xf32, #tpu.memory_space<vmem_shared>> -> memref<100352x8xf32, #tpu.memory_space<vmem_shared>>
    tpu.wait_indirect_dma semaphore(%arg11 : memref<!tpu.dma_semaphore, #tpu.memory_space<semaphore_mem>>) src(%arg8 : memref<2000x8xf32, #tpu.memory_space<vmem>>) dst(%dma_wait3A_12 : memref<100352x8xf32, #tpu.memory_space<vmem_shared>>)
    %barrier3A_13 = arith.constant 0 : index
    tpu.barrier barrier_id(%barrier3A_13)
    %mul3A_14 = arith.constant 6272 : i32
    %mul3A_15 = arith.muli %arg1, %mul3A_14 : i32
    %mul3A_16 = arith.constant 100352 : i32
    %mul3A_17 = arith.muli %arg0, %mul3A_16 : i32
    %mul3A_18 = arith.constant 6272 : i32
    %mul3A_19 = arith.muli %arg1, %mul3A_18 : i32
    %add3A_20 = arith.addi %mul3A_17, %mul3A_19 : i32
    "tpu.region"() ({
      %run_scoped3A = tpu.sem_alloc : memref<!tpu.dma_semaphore, #tpu.memory_space<semaphore_mem>>
      %dma_start3A = arith.constant 0 : i32
      %dma_start3A_21 = tpu.memref_slice %arg5[%add3A_20, %dma_start3A] : memref<200704x8xf32, #tpu.memory_space<hbm>> -> memref<6272x8xf32, #tpu.memory_space<hbm>>
      %dma_start3A_22 = arith.constant 0 : i32
      %dma_start3A_23 = tpu.memref_slice %arg9[%mul3A_15, %dma_start3A_22] : memref<100352x8xf32, #tpu.memory_space<vmem_shared>> -> memref<6272x8xf32, #tpu.memory_space<vmem_shared>>
      tpu.enqueue_dma source(%dma_start3A_23 : memref<6272x8xf32, #tpu.memory_space<vmem_shared>>) target(%dma_start3A_21 : memref<6272x8xf32, #tpu.memory_space<hbm>>) target_semaphore(%run_scoped3A : memref<!tpu.dma_semaphore, #tpu.memory_space<semaphore_mem>>)
      %dma_wait3A_24 = arith.constant 0 : i32
      %dma_wait3A_25 = tpu.memref_slice %arg5[%add3A_20, %dma_wait3A_24] : memref<200704x8xf32, #tpu.memory_space<hbm>> -> memref<6272x8xf32, #tpu.memory_space<hbm>>
      %dma_wait3A_26 = arith.constant 0 : i32
      %dma_wait3A_27 = tpu.memref_slice %arg9[%mul3A_15, %dma_wait3A_26] : memref<100352x8xf32, #tpu.memory_space<vmem_shared>> -> memref<6272x8xf32, #tpu.memory_space<vmem_shared>>
      tpu.wait_dma2 semaphore(%run_scoped3A : memref<!tpu.dma_semaphore, #tpu.memory_space<semaphore_mem>>) src(%dma_wait3A_27 : memref<6272x8xf32, #tpu.memory_space<vmem_shared>>) dst(%dma_wait3A_25 : memref<6272x8xf32, #tpu.memory_space<hbm>>)
      tpu.yield
    }) : () -> ()
    return
  }
}

#map = affine_map<(d0, d1) -> (0)>
#map1 = affine_map<(d0, d1) -> (0, 0)>
module attributes {stable_mosaic.version = 14 : i64} {
  func.func @agg_kernel(%arg0: i32, %arg1: i32, %arg2: memref<3200000xi32, #tpu.memory_space<hbm>>, %arg3: memref<3200000xi32, #tpu.memory_space<hbm>>, %arg4: memref<100352x8xf32, #tpu.memory_space<hbm>>, %arg5: memref<100352x8xf32, #tpu.memory_space<hbm>>, %arg6: memref<200704x8xf32, #tpu.memory_space<hbm>>, %arg7: memref<2000xi32, #tpu.memory_space<vmem>>, %arg8: memref<2000xi32, #tpu.memory_space<vmem>>, %arg9: memref<2000xi32, #tpu.memory_space<vmem>>, %arg10: memref<2000xi32, #tpu.memory_space<vmem>>, %arg11: memref<2000x8xf32, #tpu.memory_space<vmem>>, %arg12: memref<2000x8xf32, #tpu.memory_space<vmem>>, %arg13: memref<100352x8xf32, #tpu.memory_space<vmem_shared>>, %arg14: memref<!tpu.dma_semaphore, #tpu.memory_space<semaphore_mem>>, %arg15: memref<!tpu.dma_semaphore, #tpu.memory_space<semaphore_mem>>, %arg16: memref<!tpu.dma_semaphore, #tpu.memory_space<semaphore_mem>>) attributes {dimension_semantics = [#tpu.dimension_semantics<core_parallel>, #tpu.dimension_semantics<subcore_parallel>], iteration_bounds = array<i64: 2, 16>, scalar_prefetch = 0 : i64, scratch_operands = 10 : i64, tpu.core_type = #tpu.core_type<sc_vector_subcore>, window_params = [{transform_indices = #map}, {transform_indices = #map}, {transform_indices = #map1}, {transform_indices = #map1}, {transform_indices = #map1}]} {
    %mul3A = arith.constant 2 : i32
    %mul3A_0 = arith.muli %arg1, %mul3A : i32
    %add3A = arith.addi %mul3A_0, %arg0 : i32
    %mul3A_1 = arith.constant 6272 : i32
    %mul3A_2 = arith.muli %arg1, %mul3A_1 : i32
    %mul3A_3 = arith.constant 6272 : i32
    %mul3A_4 = arith.muli %arg1, %mul3A_3 : i32
    "tpu.region"() ({
      %run_scoped3A = tpu.sem_alloc : memref<!tpu.dma_semaphore, #tpu.memory_space<semaphore_mem>>
      %dma_start3A_23 = arith.constant 0 : i32
      %dma_start3A_24 = tpu.memref_slice %arg13[%mul3A_4, %dma_start3A_23] : memref<100352x8xf32, #tpu.memory_space<vmem_shared>> -> memref<6272x8xf32, #tpu.memory_space<vmem_shared>>
      %dma_start3A_25 = arith.constant 0 : i32
      %dma_start3A_26 = tpu.memref_slice %arg5[%mul3A_2, %dma_start3A_25] : memref<100352x8xf32, #tpu.memory_space<hbm>> -> memref<6272x8xf32, #tpu.memory_space<hbm>>
      tpu.enqueue_dma source(%dma_start3A_26 : memref<6272x8xf32, #tpu.memory_space<hbm>>) target(%dma_start3A_24 : memref<6272x8xf32, #tpu.memory_space<vmem_shared>>) target_semaphore(%run_scoped3A : memref<!tpu.dma_semaphore, #tpu.memory_space<semaphore_mem>>)
      %dma_wait3A_27 = arith.constant 0 : i32
      %dma_wait3A_28 = tpu.memref_slice %arg13[%mul3A_4, %dma_wait3A_27] : memref<100352x8xf32, #tpu.memory_space<vmem_shared>> -> memref<6272x8xf32, #tpu.memory_space<vmem_shared>>
      %dma_wait3A_29 = arith.constant 0 : i32
      %dma_wait3A_30 = tpu.memref_slice %arg5[%mul3A_2, %dma_wait3A_29] : memref<100352x8xf32, #tpu.memory_space<hbm>> -> memref<6272x8xf32, #tpu.memory_space<hbm>>
      tpu.wait_dma2 semaphore(%run_scoped3A : memref<!tpu.dma_semaphore, #tpu.memory_space<semaphore_mem>>) src(%dma_wait3A_30 : memref<6272x8xf32, #tpu.memory_space<hbm>>) dst(%dma_wait3A_28 : memref<6272x8xf32, #tpu.memory_space<vmem_shared>>)
      tpu.yield
    }) : () -> ()
    %barrier3A = arith.constant 0 : index
    tpu.barrier barrier_id(%barrier3A)
    %mul3A_5 = arith.constant 100000 : i32
    %mul3A_6 = arith.muli %add3A, %mul3A_5 : i32
    "tpu.region"() ({
      %run_scoped3A = tpu.sem_alloc : memref<!tpu.dma_semaphore, #tpu.memory_space<semaphore_mem>>
      %dma_start3A_23 = tpu.memref_slice %arg2[%mul3A_6] : memref<3200000xi32, #tpu.memory_space<hbm>> -> memref<2000xi32, #tpu.memory_space<hbm>>
      %dma_start3A_24 = tpu.memref_slice %arg2[%mul3A_6] : memref<3200000xi32, #tpu.memory_space<hbm>> -> memref<2000xi32, #tpu.memory_space<hbm>>
      tpu.enqueue_dma source(%dma_start3A_24 : memref<2000xi32, #tpu.memory_space<hbm>>) target(%arg7 : memref<2000xi32, #tpu.memory_space<vmem>>) target_semaphore(%run_scoped3A : memref<!tpu.dma_semaphore, #tpu.memory_space<semaphore_mem>>)
      %dma_wait3A_25 = tpu.memref_slice %arg2[%mul3A_6] : memref<3200000xi32, #tpu.memory_space<hbm>> -> memref<2000xi32, #tpu.memory_space<hbm>>
      %dma_wait3A_26 = tpu.memref_slice %arg2[%mul3A_6] : memref<3200000xi32, #tpu.memory_space<hbm>> -> memref<2000xi32, #tpu.memory_space<hbm>>
      tpu.wait_dma2 semaphore(%run_scoped3A : memref<!tpu.dma_semaphore, #tpu.memory_space<semaphore_mem>>) src(%dma_wait3A_26 : memref<2000xi32, #tpu.memory_space<hbm>>) dst(%arg7 : memref<2000xi32, #tpu.memory_space<vmem>>)
      tpu.yield
    }) : () -> ()
    "tpu.region"() ({
      %run_scoped3A = tpu.sem_alloc : memref<!tpu.dma_semaphore, #tpu.memory_space<semaphore_mem>>
      %dma_start3A_23 = tpu.memref_slice %arg3[%mul3A_6] : memref<3200000xi32, #tpu.memory_space<hbm>> -> memref<2000xi32, #tpu.memory_space<hbm>>
      %dma_start3A_24 = tpu.memref_slice %arg3[%mul3A_6] : memref<3200000xi32, #tpu.memory_space<hbm>> -> memref<2000xi32, #tpu.memory_space<hbm>>
      tpu.enqueue_dma source(%dma_start3A_24 : memref<2000xi32, #tpu.memory_space<hbm>>) target(%arg9 : memref<2000xi32, #tpu.memory_space<vmem>>) target_semaphore(%run_scoped3A : memref<!tpu.dma_semaphore, #tpu.memory_space<semaphore_mem>>)
      %dma_wait3A_25 = tpu.memref_slice %arg3[%mul3A_6] : memref<3200000xi32, #tpu.memory_space<hbm>> -> memref<2000xi32, #tpu.memory_space<hbm>>
      %dma_wait3A_26 = tpu.memref_slice %arg3[%mul3A_6] : memref<3200000xi32, #tpu.memory_space<hbm>> -> memref<2000xi32, #tpu.memory_space<hbm>>
      tpu.wait_dma2 semaphore(%run_scoped3A : memref<!tpu.dma_semaphore, #tpu.memory_space<semaphore_mem>>) src(%dma_wait3A_26 : memref<2000xi32, #tpu.memory_space<hbm>>) dst(%arg9 : memref<2000xi32, #tpu.memory_space<vmem>>)
      tpu.yield
    }) : () -> ()
    %dma_start3A = arith.constant 0 : i32
    %dma_start3A_7 = arith.constant 0 : i32
    %dma_start3A_8 = tpu.memref_slice %arg4[%dma_start3A, %dma_start3A_7] : memref<100352x8xf32, #tpu.memory_space<hbm>> -> memref<100352x8xf32, #tpu.memory_space<hbm>>
    tpu.enqueue_indirect_dma source(%dma_start3A_8 : memref<100352x8xf32, #tpu.memory_space<hbm>>) target(%arg11 : memref<2000x8xf32, #tpu.memory_space<vmem>>) offsets(%arg7 : memref<2000xi32, #tpu.memory_space<vmem>>) semaphore(%arg15 : memref<!tpu.dma_semaphore, #tpu.memory_space<semaphore_mem>>)
    %scan3A = arith.constant 0 : i32
    %scan3A_9 = arith.constant 25 : i32
    %scan3A_10 = arith.addi %scan3A, %scan3A_9 : i32
    %scan3A_11 = arith.constant 1 : i32
    scf.for %scan3A_23 = %scan3A to %scan3A_10 step %scan3A_11  : i32 {
      %mul3A_24 = arith.constant 1 : i32
      %mul3A_25 = arith.muli %scan3A_23, %mul3A_24 : i32
      %add3A_26 = arith.constant 0 : i32
      %add3A_27 = arith.addi %add3A_26, %mul3A_25 : i32
      %mul3A_28 = arith.constant 2 : i32
      %mul3A_29 = arith.muli %mul3A_28, %add3A_27 : i32
      %add3A_30 = arith.constant 0 : i32
      %add3A_31 = arith.addi %mul3A_29, %add3A_30 : i32
      %gt3A = arith.constant 0 : i32
      %gt3A_32 = arith.cmpi sgt, %add3A_31, %gt3A : i32
      %convert_element_type3A = arith.extui %gt3A_32 : i1 to i32
      %cond3A = arith.constant 0 : i32
      %cond3A_33 = arith.cmpi ne, %convert_element_type3A, %cond3A : i32
      scf.if %cond3A_33 {
        %dma_wait3A_82 = arith.constant 0 : i32
        %dma_wait3A_83 = arith.constant 0 : i32
        %dma_wait3A_84 = tpu.memref_slice %arg13[%dma_wait3A_82, %dma_wait3A_83] : memref<100352x8xf32, #tpu.memory_space<vmem_shared>> -> memref<100352x8xf32, #tpu.memory_space<vmem_shared>>
        tpu.wait_indirect_dma semaphore(%arg16 : memref<!tpu.dma_semaphore, #tpu.memory_space<semaphore_mem>>) src(%arg12 : memref<2000x8xf32, #tpu.memory_space<vmem>>) dst(%dma_wait3A_84 : memref<100352x8xf32, #tpu.memory_space<vmem_shared>>)
      } else {
      }
      %add3A_34 = arith.constant 1 : i32
      %add3A_35 = arith.addi %add3A_31, %add3A_34 : i32
      %lt3A = arith.constant 50 : i32
      %lt3A_36 = arith.cmpi slt, %add3A_35, %lt3A : i32
      %convert_element_type3A_37 = arith.extui %lt3A_36 : i1 to i32
      %cond3A_38 = arith.constant 0 : i32
      %cond3A_39 = arith.cmpi ne, %convert_element_type3A_37, %cond3A_38 : i32
      scf.if %cond3A_39 {
        %add3A_82 = arith.constant 1 : i32
        %add3A_83 = arith.addi %add3A_31, %add3A_82 : i32
        %mul3A_84 = arith.constant 2000 : i32
        %mul3A_85 = arith.muli %add3A_83, %mul3A_84 : i32
        %add3A_86 = arith.addi %mul3A_6, %mul3A_85 : i32
        %dma_start3A_87 = tpu.memref_slice %arg2[%add3A_86] : memref<3200000xi32, #tpu.memory_space<hbm>> -> memref<2000xi32, #tpu.memory_space<hbm>>
        %dma_start3A_88 = tpu.memref_slice %arg2[%add3A_86] : memref<3200000xi32, #tpu.memory_space<hbm>> -> memref<2000xi32, #tpu.memory_space<hbm>>
        tpu.enqueue_dma source(%dma_start3A_88 : memref<2000xi32, #tpu.memory_space<hbm>>) target(%arg8 : memref<2000xi32, #tpu.memory_space<vmem>>) target_semaphore(%arg14 : memref<!tpu.dma_semaphore, #tpu.memory_space<semaphore_mem>>)
        %add3A_89 = arith.constant 1 : i32
        %add3A_90 = arith.addi %add3A_31, %add3A_89 : i32
        %mul3A_91 = arith.constant 2000 : i32
        %mul3A_92 = arith.muli %add3A_90, %mul3A_91 : i32
        %add3A_93 = arith.addi %mul3A_6, %mul3A_92 : i32
        %dma_start3A_94 = tpu.memref_slice %arg3[%add3A_93] : memref<3200000xi32, #tpu.memory_space<hbm>> -> memref<2000xi32, #tpu.memory_space<hbm>>
        %dma_start3A_95 = tpu.memref_slice %arg3[%add3A_93] : memref<3200000xi32, #tpu.memory_space<hbm>> -> memref<2000xi32, #tpu.memory_space<hbm>>
        tpu.enqueue_dma source(%dma_start3A_95 : memref<2000xi32, #tpu.memory_space<hbm>>) target(%arg10 : memref<2000xi32, #tpu.memory_space<vmem>>) target_semaphore(%arg14 : memref<!tpu.dma_semaphore, #tpu.memory_space<semaphore_mem>>)
      } else {
      }
      %dma_wait3A_40 = arith.constant 0 : i32
      %dma_wait3A_41 = arith.constant 0 : i32
      %dma_wait3A_42 = tpu.memref_slice %arg4[%dma_wait3A_40, %dma_wait3A_41] : memref<100352x8xf32, #tpu.memory_space<hbm>> -> memref<100352x8xf32, #tpu.memory_space<hbm>>
      tpu.wait_indirect_dma semaphore(%arg15 : memref<!tpu.dma_semaphore, #tpu.memory_space<semaphore_mem>>) src(%dma_wait3A_42 : memref<100352x8xf32, #tpu.memory_space<hbm>>) dst(%arg11 : memref<2000x8xf32, #tpu.memory_space<vmem>>)
      %dma_start3A_43 = arith.constant 0 : i32
      %dma_start3A_44 = arith.constant 0 : i32
      %dma_start3A_45 = tpu.memref_slice %arg13[%dma_start3A_43, %dma_start3A_44] : memref<100352x8xf32, #tpu.memory_space<vmem_shared>> -> memref<100352x8xf32, #tpu.memory_space<vmem_shared>>
      tpu.enqueue_indirect_dma source(%arg11 : memref<2000x8xf32, #tpu.memory_space<vmem>>) target(%dma_start3A_45 : memref<100352x8xf32, #tpu.memory_space<vmem_shared>>) offsets(%arg9 : memref<2000xi32, #tpu.memory_space<vmem>>) semaphore(%arg16 : memref<!tpu.dma_semaphore, #tpu.memory_space<semaphore_mem>>) {add = true}
      %add3A_46 = arith.constant 1 : i32
      %add3A_47 = arith.addi %add3A_31, %add3A_46 : i32
      %lt3A_48 = arith.constant 50 : i32
      %lt3A_49 = arith.cmpi slt, %add3A_47, %lt3A_48 : i32
      %convert_element_type3A_50 = arith.extui %lt3A_49 : i1 to i32
      %cond3A_51 = arith.constant 0 : i32
      %cond3A_52 = arith.cmpi ne, %convert_element_type3A_50, %cond3A_51 : i32
      scf.if %cond3A_52 {
        %dma_wait3A_82 = arith.constant 0 : i32
        %dma_wait3A_83 = tpu.memref_slice %arg2[%dma_wait3A_82] : memref<3200000xi32, #tpu.memory_space<hbm>> -> memref<2000xi32, #tpu.memory_space<hbm>>
        %dma_wait3A_84 = arith.constant 0 : i32
        %dma_wait3A_85 = tpu.memref_slice %arg2[%dma_wait3A_84] : memref<3200000xi32, #tpu.memory_space<hbm>> -> memref<2000xi32, #tpu.memory_space<hbm>>
        tpu.wait_dma2 semaphore(%arg14 : memref<!tpu.dma_semaphore, #tpu.memory_space<semaphore_mem>>) src(%dma_wait3A_85 : memref<2000xi32, #tpu.memory_space<hbm>>) dst(%arg8 : memref<2000xi32, #tpu.memory_space<vmem>>)
        %dma_wait3A_86 = arith.constant 0 : i32
        %dma_wait3A_87 = tpu.memref_slice %arg3[%dma_wait3A_86] : memref<3200000xi32, #tpu.memory_space<hbm>> -> memref<2000xi32, #tpu.memory_space<hbm>>
        %dma_wait3A_88 = arith.constant 0 : i32
        %dma_wait3A_89 = tpu.memref_slice %arg3[%dma_wait3A_88] : memref<3200000xi32, #tpu.memory_space<hbm>> -> memref<2000xi32, #tpu.memory_space<hbm>>
        tpu.wait_dma2 semaphore(%arg14 : memref<!tpu.dma_semaphore, #tpu.memory_space<semaphore_mem>>) src(%dma_wait3A_89 : memref<2000xi32, #tpu.memory_space<hbm>>) dst(%arg10 : memref<2000xi32, #tpu.memory_space<vmem>>)
        %dma_start3A_90 = arith.constant 0 : i32
        %dma_start3A_91 = arith.constant 0 : i32
        %dma_start3A_92 = tpu.memref_slice %arg4[%dma_start3A_90, %dma_start3A_91] : memref<100352x8xf32, #tpu.memory_space<hbm>> -> memref<100352x8xf32, #tpu.memory_space<hbm>>
        tpu.enqueue_indirect_dma source(%dma_start3A_92 : memref<100352x8xf32, #tpu.memory_space<hbm>>) target(%arg12 : memref<2000x8xf32, #tpu.memory_space<vmem>>) offsets(%arg8 : memref<2000xi32, #tpu.memory_space<vmem>>) semaphore(%arg15 : memref<!tpu.dma_semaphore, #tpu.memory_space<semaphore_mem>>)
      } else {
      }
      %mul3A_53 = arith.constant 2 : i32
      %mul3A_54 = arith.muli %mul3A_53, %add3A_27 : i32
      %add3A_55 = arith.constant 1 : i32
      %add3A_56 = arith.addi %mul3A_54, %add3A_55 : i32
      %gt3A_57 = arith.constant 0 : i32
      %gt3A_58 = arith.cmpi sgt, %add3A_56, %gt3A_57 : i32
      %convert_element_type3A_59 = arith.extui %gt3A_58 : i1 to i32
      %cond3A_60 = arith.constant 0 : i32
      %cond3A_61 = arith.cmpi ne, %convert_element_type3A_59, %cond3A_60 : i32
      scf.if %cond3A_61 {
        %dma_wait3A_82 = arith.constant 0 : i32
        %dma_wait3A_83 = arith.constant 0 : i32
        %dma_wait3A_84 = tpu.memref_slice %arg13[%dma_wait3A_82, %dma_wait3A_83] : memref<100352x8xf32, #tpu.memory_space<vmem_shared>> -> memref<100352x8xf32, #tpu.memory_space<vmem_shared>>
        tpu.wait_indirect_dma semaphore(%arg16 : memref<!tpu.dma_semaphore, #tpu.memory_space<semaphore_mem>>) src(%arg11 : memref<2000x8xf32, #tpu.memory_space<vmem>>) dst(%dma_wait3A_84 : memref<100352x8xf32, #tpu.memory_space<vmem_shared>>)
      } else {
      }
      %add3A_62 = arith.constant 1 : i32
      %add3A_63 = arith.addi %add3A_56, %add3A_62 : i32
      %lt3A_64 = arith.constant 50 : i32
      %lt3A_65 = arith.cmpi slt, %add3A_63, %lt3A_64 : i32
      %convert_element_type3A_66 = arith.extui %lt3A_65 : i1 to i32
      %cond3A_67 = arith.constant 0 : i32
      %cond3A_68 = arith.cmpi ne, %convert_element_type3A_66, %cond3A_67 : i32
      scf.if %cond3A_68 {
        %add3A_82 = arith.constant 1 : i32
        %add3A_83 = arith.addi %add3A_56, %add3A_82 : i32
        %mul3A_84 = arith.constant 2000 : i32
        %mul3A_85 = arith.muli %add3A_83, %mul3A_84 : i32
        %add3A_86 = arith.addi %mul3A_6, %mul3A_85 : i32
        %dma_start3A_87 = tpu.memref_slice %arg2[%add3A_86] : memref<3200000xi32, #tpu.memory_space<hbm>> -> memref<2000xi32, #tpu.memory_space<hbm>>
        %dma_start3A_88 = tpu.memref_slice %arg2[%add3A_86] : memref<3200000xi32, #tpu.memory_space<hbm>> -> memref<2000xi32, #tpu.memory_space<hbm>>
        tpu.enqueue_dma source(%dma_start3A_88 : memref<2000xi32, #tpu.memory_space<hbm>>) target(%arg7 : memref<2000xi32, #tpu.memory_space<vmem>>) target_semaphore(%arg14 : memref<!tpu.dma_semaphore, #tpu.memory_space<semaphore_mem>>)
        %add3A_89 = arith.constant 1 : i32
        %add3A_90 = arith.addi %add3A_56, %add3A_89 : i32
        %mul3A_91 = arith.constant 2000 : i32
        %mul3A_92 = arith.muli %add3A_90, %mul3A_91 : i32
        %add3A_93 = arith.addi %mul3A_6, %mul3A_92 : i32
        %dma_start3A_94 = tpu.memref_slice %arg3[%add3A_93] : memref<3200000xi32, #tpu.memory_space<hbm>> -> memref<2000xi32, #tpu.memory_space<hbm>>
        %dma_start3A_95 = tpu.memref_slice %arg3[%add3A_93] : memref<3200000xi32, #tpu.memory_space<hbm>> -> memref<2000xi32, #tpu.memory_space<hbm>>
        tpu.enqueue_dma source(%dma_start3A_95 : memref<2000xi32, #tpu.memory_space<hbm>>) target(%arg9 : memref<2000xi32, #tpu.memory_space<vmem>>) target_semaphore(%arg14 : memref<!tpu.dma_semaphore, #tpu.memory_space<semaphore_mem>>)
      } else {
      }
      %dma_wait3A_69 = arith.constant 0 : i32
      %dma_wait3A_70 = arith.constant 0 : i32
      %dma_wait3A_71 = tpu.memref_slice %arg4[%dma_wait3A_69, %dma_wait3A_70] : memref<100352x8xf32, #tpu.memory_space<hbm>> -> memref<100352x8xf32, #tpu.memory_space<hbm>>
      tpu.wait_indirect_dma semaphore(%arg15 : memref<!tpu.dma_semaphore, #tpu.memory_space<semaphore_mem>>) src(%dma_wait3A_71 : memref<100352x8xf32, #tpu.memory_space<hbm>>) dst(%arg12 : memref<2000x8xf32, #tpu.memory_space<vmem>>)
      %dma_start3A_72 = arith.constant 0 : i32
      %dma_start3A_73 = arith.constant 0 : i32
      %dma_start3A_74 = tpu.memref_slice %arg13[%dma_start3A_72, %dma_start3A_73] : memref<100352x8xf32, #tpu.memory_space<vmem_shared>> -> memref<100352x8xf32, #tpu.memory_space<vmem_shared>>
      tpu.enqueue_indirect_dma source(%arg12 : memref<2000x8xf32, #tpu.memory_space<vmem>>) target(%dma_start3A_74 : memref<100352x8xf32, #tpu.memory_space<vmem_shared>>) offsets(%arg10 : memref<2000xi32, #tpu.memory_space<vmem>>) semaphore(%arg16 : memref<!tpu.dma_semaphore, #tpu.memory_space<semaphore_mem>>) {add = true}
      %add3A_75 = arith.constant 1 : i32
      %add3A_76 = arith.addi %add3A_56, %add3A_75 : i32
      %lt3A_77 = arith.constant 50 : i32
      %lt3A_78 = arith.cmpi slt, %add3A_76, %lt3A_77 : i32
      %convert_element_type3A_79 = arith.extui %lt3A_78 : i1 to i32
      %cond3A_80 = arith.constant 0 : i32
      %cond3A_81 = arith.cmpi ne, %convert_element_type3A_79, %cond3A_80 : i32
      scf.if %cond3A_81 {
        %dma_wait3A_82 = arith.constant 0 : i32
        %dma_wait3A_83 = tpu.memref_slice %arg2[%dma_wait3A_82] : memref<3200000xi32, #tpu.memory_space<hbm>> -> memref<2000xi32, #tpu.memory_space<hbm>>
        %dma_wait3A_84 = arith.constant 0 : i32
        %dma_wait3A_85 = tpu.memref_slice %arg2[%dma_wait3A_84] : memref<3200000xi32, #tpu.memory_space<hbm>> -> memref<2000xi32, #tpu.memory_space<hbm>>
        tpu.wait_dma2 semaphore(%arg14 : memref<!tpu.dma_semaphore, #tpu.memory_space<semaphore_mem>>) src(%dma_wait3A_85 : memref<2000xi32, #tpu.memory_space<hbm>>) dst(%arg7 : memref<2000xi32, #tpu.memory_space<vmem>>)
        %dma_wait3A_86 = arith.constant 0 : i32
        %dma_wait3A_87 = tpu.memref_slice %arg3[%dma_wait3A_86] : memref<3200000xi32, #tpu.memory_space<hbm>> -> memref<2000xi32, #tpu.memory_space<hbm>>
        %dma_wait3A_88 = arith.constant 0 : i32
        %dma_wait3A_89 = tpu.memref_slice %arg3[%dma_wait3A_88] : memref<3200000xi32, #tpu.memory_space<hbm>> -> memref<2000xi32, #tpu.memory_space<hbm>>
        tpu.wait_dma2 semaphore(%arg14 : memref<!tpu.dma_semaphore, #tpu.memory_space<semaphore_mem>>) src(%dma_wait3A_89 : memref<2000xi32, #tpu.memory_space<hbm>>) dst(%arg9 : memref<2000xi32, #tpu.memory_space<vmem>>)
        %dma_start3A_90 = arith.constant 0 : i32
        %dma_start3A_91 = arith.constant 0 : i32
        %dma_start3A_92 = tpu.memref_slice %arg4[%dma_start3A_90, %dma_start3A_91] : memref<100352x8xf32, #tpu.memory_space<hbm>> -> memref<100352x8xf32, #tpu.memory_space<hbm>>
        tpu.enqueue_indirect_dma source(%dma_start3A_92 : memref<100352x8xf32, #tpu.memory_space<hbm>>) target(%arg11 : memref<2000x8xf32, #tpu.memory_space<vmem>>) offsets(%arg7 : memref<2000xi32, #tpu.memory_space<vmem>>) semaphore(%arg15 : memref<!tpu.dma_semaphore, #tpu.memory_space<semaphore_mem>>)
      } else {
      }
    }
    %scan3A_12 = arith.constant 25 : i32
    %dma_wait3A = arith.constant 0 : i32
    %dma_wait3A_13 = arith.constant 0 : i32
    %dma_wait3A_14 = tpu.memref_slice %arg13[%dma_wait3A, %dma_wait3A_13] : memref<100352x8xf32, #tpu.memory_space<vmem_shared>> -> memref<100352x8xf32, #tpu.memory_space<vmem_shared>>
    tpu.wait_indirect_dma semaphore(%arg16 : memref<!tpu.dma_semaphore, #tpu.memory_space<semaphore_mem>>) src(%arg12 : memref<2000x8xf32, #tpu.memory_space<vmem>>) dst(%dma_wait3A_14 : memref<100352x8xf32, #tpu.memory_space<vmem_shared>>)
    %barrier3A_15 = arith.constant 0 : index
    tpu.barrier barrier_id(%barrier3A_15)
    %mul3A_16 = arith.constant 6272 : i32
    %mul3A_17 = arith.muli %arg1, %mul3A_16 : i32
    %mul3A_18 = arith.constant 100352 : i32
    %mul3A_19 = arith.muli %arg0, %mul3A_18 : i32
    %mul3A_20 = arith.constant 6272 : i32
    %mul3A_21 = arith.muli %arg1, %mul3A_20 : i32
    %add3A_22 = arith.addi %mul3A_19, %mul3A_21 : i32
    "tpu.region"() ({
      %run_scoped3A = tpu.sem_alloc : memref<!tpu.dma_semaphore, #tpu.memory_space<semaphore_mem>>
      %dma_start3A_23 = arith.constant 0 : i32
      %dma_start3A_24 = tpu.memref_slice %arg6[%add3A_22, %dma_start3A_23] : memref<200704x8xf32, #tpu.memory_space<hbm>> -> memref<6272x8xf32, #tpu.memory_space<hbm>>
      %dma_start3A_25 = arith.constant 0 : i32
      %dma_start3A_26 = tpu.memref_slice %arg13[%mul3A_17, %dma_start3A_25] : memref<100352x8xf32, #tpu.memory_space<vmem_shared>> -> memref<6272x8xf32, #tpu.memory_space<vmem_shared>>
      tpu.enqueue_dma source(%dma_start3A_26 : memref<6272x8xf32, #tpu.memory_space<vmem_shared>>) target(%dma_start3A_24 : memref<6272x8xf32, #tpu.memory_space<hbm>>) target_semaphore(%run_scoped3A : memref<!tpu.dma_semaphore, #tpu.memory_space<semaphore_mem>>)
      %dma_wait3A_27 = arith.constant 0 : i32
      %dma_wait3A_28 = tpu.memref_slice %arg6[%add3A_22, %dma_wait3A_27] : memref<200704x8xf32, #tpu.memory_space<hbm>> -> memref<6272x8xf32, #tpu.memory_space<hbm>>
      %dma_wait3A_29 = arith.constant 0 : i32
      %dma_wait3A_30 = tpu.memref_slice %arg13[%mul3A_17, %dma_wait3A_29] : memref<100352x8xf32, #tpu.memory_space<vmem_shared>> -> memref<6272x8xf32, #tpu.memory_space<vmem_shared>>
      tpu.wait_dma2 semaphore(%run_scoped3A : memref<!tpu.dma_semaphore, #tpu.memory_space<semaphore_mem>>) src(%dma_wait3A_30 : memref<6272x8xf32, #tpu.memory_space<vmem_shared>>) dst(%dma_wait3A_28 : memref<6272x8xf32, #tpu.memory_space<hbm>>)
      tpu.yield
    }) : () -> ()
    return
  }
}

#map = affine_map<(d0, d1) -> (0)>
#map1 = affine_map<(d0, d1) -> (0, 0)>
module attributes {stable_mosaic.version = 14 : i64} {
  func.func @agg_kernel(%arg0: i32, %arg1: i32, %arg2: memref<3200000xi32, #tpu.memory_space<hbm>>, %arg3: memref<3200000xi32, #tpu.memory_space<hbm>>, %arg4: memref<100352x16xf32, #tpu.memory_space<hbm>>, %arg5: memref<100352x16xf32, #tpu.memory_space<hbm>>, %arg6: memref<200704x16xf32, #tpu.memory_space<hbm>>, %arg7: memref<400xi32, #tpu.memory_space<vmem>>, %arg8: memref<400xi32, #tpu.memory_space<vmem>>, %arg9: memref<400xi32, #tpu.memory_space<vmem>>, %arg10: memref<400xi32, #tpu.memory_space<vmem>>, %arg11: memref<400x16xf32, #tpu.memory_space<vmem>>, %arg12: memref<400x16xf32, #tpu.memory_space<vmem>>, %arg13: memref<100352x16xf32, #tpu.memory_space<vmem_shared>>, %arg14: memref<!tpu.dma_semaphore, #tpu.memory_space<semaphore_mem>>, %arg15: memref<!tpu.dma_semaphore, #tpu.memory_space<semaphore_mem>>, %arg16: memref<!tpu.dma_semaphore, #tpu.memory_space<semaphore_mem>>) attributes {dimension_semantics = [#tpu.dimension_semantics<core_parallel>, #tpu.dimension_semantics<subcore_parallel>], iteration_bounds = array<i64: 2, 16>, scalar_prefetch = 0 : i64, scratch_operands = 10 : i64, tpu.core_type = #tpu.core_type<sc_vector_subcore>, window_params = [{transform_indices = #map}, {transform_indices = #map}, {transform_indices = #map1}, {transform_indices = #map1}, {transform_indices = #map1}]} {
    %mul3A = arith.constant 2 : i32
    %mul3A_0 = arith.muli %arg1, %mul3A : i32
    %add3A = arith.addi %mul3A_0, %arg0 : i32
    %mul3A_1 = arith.constant 6272 : i32
    %mul3A_2 = arith.muli %arg1, %mul3A_1 : i32
    %mul3A_3 = arith.constant 6272 : i32
    %mul3A_4 = arith.muli %arg1, %mul3A_3 : i32
    "tpu.region"() ({
      %run_scoped3A = tpu.sem_alloc : memref<!tpu.dma_semaphore, #tpu.memory_space<semaphore_mem>>
      %dma_start3A_23 = arith.constant 0 : i32
      %dma_start3A_24 = tpu.memref_slice %arg13[%mul3A_4, %dma_start3A_23] : memref<100352x16xf32, #tpu.memory_space<vmem_shared>> -> memref<6272x16xf32, #tpu.memory_space<vmem_shared>>
      %dma_start3A_25 = arith.constant 0 : i32
      %dma_start3A_26 = tpu.memref_slice %arg5[%mul3A_2, %dma_start3A_25] : memref<100352x16xf32, #tpu.memory_space<hbm>> -> memref<6272x16xf32, #tpu.memory_space<hbm>>
      tpu.enqueue_dma source(%dma_start3A_26 : memref<6272x16xf32, #tpu.memory_space<hbm>>) target(%dma_start3A_24 : memref<6272x16xf32, #tpu.memory_space<vmem_shared>>) target_semaphore(%run_scoped3A : memref<!tpu.dma_semaphore, #tpu.memory_space<semaphore_mem>>)
      %dma_wait3A_27 = arith.constant 0 : i32
      %dma_wait3A_28 = tpu.memref_slice %arg13[%mul3A_4, %dma_wait3A_27] : memref<100352x16xf32, #tpu.memory_space<vmem_shared>> -> memref<6272x16xf32, #tpu.memory_space<vmem_shared>>
      %dma_wait3A_29 = arith.constant 0 : i32
      %dma_wait3A_30 = tpu.memref_slice %arg5[%mul3A_2, %dma_wait3A_29] : memref<100352x16xf32, #tpu.memory_space<hbm>> -> memref<6272x16xf32, #tpu.memory_space<hbm>>
      tpu.wait_dma2 semaphore(%run_scoped3A : memref<!tpu.dma_semaphore, #tpu.memory_space<semaphore_mem>>) src(%dma_wait3A_30 : memref<6272x16xf32, #tpu.memory_space<hbm>>) dst(%dma_wait3A_28 : memref<6272x16xf32, #tpu.memory_space<vmem_shared>>)
      tpu.yield
    }) : () -> ()
    %barrier3A = arith.constant 0 : index
    tpu.barrier barrier_id(%barrier3A)
    %mul3A_5 = arith.constant 100000 : i32
    %mul3A_6 = arith.muli %add3A, %mul3A_5 : i32
    "tpu.region"() ({
      %run_scoped3A = tpu.sem_alloc : memref<!tpu.dma_semaphore, #tpu.memory_space<semaphore_mem>>
      %dma_start3A_23 = tpu.memref_slice %arg2[%mul3A_6] : memref<3200000xi32, #tpu.memory_space<hbm>> -> memref<400xi32, #tpu.memory_space<hbm>>
      %dma_start3A_24 = tpu.memref_slice %arg2[%mul3A_6] : memref<3200000xi32, #tpu.memory_space<hbm>> -> memref<400xi32, #tpu.memory_space<hbm>>
      tpu.enqueue_dma source(%dma_start3A_24 : memref<400xi32, #tpu.memory_space<hbm>>) target(%arg7 : memref<400xi32, #tpu.memory_space<vmem>>) target_semaphore(%run_scoped3A : memref<!tpu.dma_semaphore, #tpu.memory_space<semaphore_mem>>)
      %dma_wait3A_25 = tpu.memref_slice %arg2[%mul3A_6] : memref<3200000xi32, #tpu.memory_space<hbm>> -> memref<400xi32, #tpu.memory_space<hbm>>
      %dma_wait3A_26 = tpu.memref_slice %arg2[%mul3A_6] : memref<3200000xi32, #tpu.memory_space<hbm>> -> memref<400xi32, #tpu.memory_space<hbm>>
      tpu.wait_dma2 semaphore(%run_scoped3A : memref<!tpu.dma_semaphore, #tpu.memory_space<semaphore_mem>>) src(%dma_wait3A_26 : memref<400xi32, #tpu.memory_space<hbm>>) dst(%arg7 : memref<400xi32, #tpu.memory_space<vmem>>)
      tpu.yield
    }) : () -> ()
    "tpu.region"() ({
      %run_scoped3A = tpu.sem_alloc : memref<!tpu.dma_semaphore, #tpu.memory_space<semaphore_mem>>
      %dma_start3A_23 = tpu.memref_slice %arg3[%mul3A_6] : memref<3200000xi32, #tpu.memory_space<hbm>> -> memref<400xi32, #tpu.memory_space<hbm>>
      %dma_start3A_24 = tpu.memref_slice %arg3[%mul3A_6] : memref<3200000xi32, #tpu.memory_space<hbm>> -> memref<400xi32, #tpu.memory_space<hbm>>
      tpu.enqueue_dma source(%dma_start3A_24 : memref<400xi32, #tpu.memory_space<hbm>>) target(%arg9 : memref<400xi32, #tpu.memory_space<vmem>>) target_semaphore(%run_scoped3A : memref<!tpu.dma_semaphore, #tpu.memory_space<semaphore_mem>>)
      %dma_wait3A_25 = tpu.memref_slice %arg3[%mul3A_6] : memref<3200000xi32, #tpu.memory_space<hbm>> -> memref<400xi32, #tpu.memory_space<hbm>>
      %dma_wait3A_26 = tpu.memref_slice %arg3[%mul3A_6] : memref<3200000xi32, #tpu.memory_space<hbm>> -> memref<400xi32, #tpu.memory_space<hbm>>
      tpu.wait_dma2 semaphore(%run_scoped3A : memref<!tpu.dma_semaphore, #tpu.memory_space<semaphore_mem>>) src(%dma_wait3A_26 : memref<400xi32, #tpu.memory_space<hbm>>) dst(%arg9 : memref<400xi32, #tpu.memory_space<vmem>>)
      tpu.yield
    }) : () -> ()
    %dma_start3A = arith.constant 0 : i32
    %dma_start3A_7 = arith.constant 0 : i32
    %dma_start3A_8 = tpu.memref_slice %arg4[%dma_start3A, %dma_start3A_7] : memref<100352x16xf32, #tpu.memory_space<hbm>> -> memref<100352x16xf32, #tpu.memory_space<hbm>>
    tpu.enqueue_indirect_dma source(%dma_start3A_8 : memref<100352x16xf32, #tpu.memory_space<hbm>>) target(%arg11 : memref<400x16xf32, #tpu.memory_space<vmem>>) offsets(%arg7 : memref<400xi32, #tpu.memory_space<vmem>>) semaphore(%arg15 : memref<!tpu.dma_semaphore, #tpu.memory_space<semaphore_mem>>)
    %scan3A = arith.constant 0 : i32
    %scan3A_9 = arith.constant 125 : i32
    %scan3A_10 = arith.addi %scan3A, %scan3A_9 : i32
    %scan3A_11 = arith.constant 1 : i32
    scf.for %scan3A_23 = %scan3A to %scan3A_10 step %scan3A_11  : i32 {
      %mul3A_24 = arith.constant 1 : i32
      %mul3A_25 = arith.muli %scan3A_23, %mul3A_24 : i32
      %add3A_26 = arith.constant 0 : i32
      %add3A_27 = arith.addi %add3A_26, %mul3A_25 : i32
      %mul3A_28 = arith.constant 2 : i32
      %mul3A_29 = arith.muli %mul3A_28, %add3A_27 : i32
      %add3A_30 = arith.constant 0 : i32
      %add3A_31 = arith.addi %mul3A_29, %add3A_30 : i32
      %gt3A = arith.constant 0 : i32
      %gt3A_32 = arith.cmpi sgt, %add3A_31, %gt3A : i32
      %convert_element_type3A = arith.extui %gt3A_32 : i1 to i32
      %cond3A = arith.constant 0 : i32
      %cond3A_33 = arith.cmpi ne, %convert_element_type3A, %cond3A : i32
      scf.if %cond3A_33 {
        %dma_wait3A_82 = arith.constant 0 : i32
        %dma_wait3A_83 = arith.constant 0 : i32
        %dma_wait3A_84 = tpu.memref_slice %arg13[%dma_wait3A_82, %dma_wait3A_83] : memref<100352x16xf32, #tpu.memory_space<vmem_shared>> -> memref<100352x16xf32, #tpu.memory_space<vmem_shared>>
        tpu.wait_indirect_dma semaphore(%arg16 : memref<!tpu.dma_semaphore, #tpu.memory_space<semaphore_mem>>) src(%arg12 : memref<400x16xf32, #tpu.memory_space<vmem>>) dst(%dma_wait3A_84 : memref<100352x16xf32, #tpu.memory_space<vmem_shared>>)
      } else {
      }
      %add3A_34 = arith.constant 1 : i32
      %add3A_35 = arith.addi %add3A_31, %add3A_34 : i32
      %lt3A = arith.constant 250 : i32
      %lt3A_36 = arith.cmpi slt, %add3A_35, %lt3A : i32
      %convert_element_type3A_37 = arith.extui %lt3A_36 : i1 to i32
      %cond3A_38 = arith.constant 0 : i32
      %cond3A_39 = arith.cmpi ne, %convert_element_type3A_37, %cond3A_38 : i32
      scf.if %cond3A_39 {
        %add3A_82 = arith.constant 1 : i32
        %add3A_83 = arith.addi %add3A_31, %add3A_82 : i32
        %mul3A_84 = arith.constant 400 : i32
        %mul3A_85 = arith.muli %add3A_83, %mul3A_84 : i32
        %add3A_86 = arith.addi %mul3A_6, %mul3A_85 : i32
        %dma_start3A_87 = tpu.memref_slice %arg2[%add3A_86] : memref<3200000xi32, #tpu.memory_space<hbm>> -> memref<400xi32, #tpu.memory_space<hbm>>
        %dma_start3A_88 = tpu.memref_slice %arg2[%add3A_86] : memref<3200000xi32, #tpu.memory_space<hbm>> -> memref<400xi32, #tpu.memory_space<hbm>>
        tpu.enqueue_dma source(%dma_start3A_88 : memref<400xi32, #tpu.memory_space<hbm>>) target(%arg8 : memref<400xi32, #tpu.memory_space<vmem>>) target_semaphore(%arg14 : memref<!tpu.dma_semaphore, #tpu.memory_space<semaphore_mem>>)
        %add3A_89 = arith.constant 1 : i32
        %add3A_90 = arith.addi %add3A_31, %add3A_89 : i32
        %mul3A_91 = arith.constant 400 : i32
        %mul3A_92 = arith.muli %add3A_90, %mul3A_91 : i32
        %add3A_93 = arith.addi %mul3A_6, %mul3A_92 : i32
        %dma_start3A_94 = tpu.memref_slice %arg3[%add3A_93] : memref<3200000xi32, #tpu.memory_space<hbm>> -> memref<400xi32, #tpu.memory_space<hbm>>
        %dma_start3A_95 = tpu.memref_slice %arg3[%add3A_93] : memref<3200000xi32, #tpu.memory_space<hbm>> -> memref<400xi32, #tpu.memory_space<hbm>>
        tpu.enqueue_dma source(%dma_start3A_95 : memref<400xi32, #tpu.memory_space<hbm>>) target(%arg10 : memref<400xi32, #tpu.memory_space<vmem>>) target_semaphore(%arg14 : memref<!tpu.dma_semaphore, #tpu.memory_space<semaphore_mem>>)
      } else {
      }
      %dma_wait3A_40 = arith.constant 0 : i32
      %dma_wait3A_41 = arith.constant 0 : i32
      %dma_wait3A_42 = tpu.memref_slice %arg4[%dma_wait3A_40, %dma_wait3A_41] : memref<100352x16xf32, #tpu.memory_space<hbm>> -> memref<100352x16xf32, #tpu.memory_space<hbm>>
      tpu.wait_indirect_dma semaphore(%arg15 : memref<!tpu.dma_semaphore, #tpu.memory_space<semaphore_mem>>) src(%dma_wait3A_42 : memref<100352x16xf32, #tpu.memory_space<hbm>>) dst(%arg11 : memref<400x16xf32, #tpu.memory_space<vmem>>)
      %dma_start3A_43 = arith.constant 0 : i32
      %dma_start3A_44 = arith.constant 0 : i32
      %dma_start3A_45 = tpu.memref_slice %arg13[%dma_start3A_43, %dma_start3A_44] : memref<100352x16xf32, #tpu.memory_space<vmem_shared>> -> memref<100352x16xf32, #tpu.memory_space<vmem_shared>>
      tpu.enqueue_indirect_dma source(%arg11 : memref<400x16xf32, #tpu.memory_space<vmem>>) target(%dma_start3A_45 : memref<100352x16xf32, #tpu.memory_space<vmem_shared>>) offsets(%arg9 : memref<400xi32, #tpu.memory_space<vmem>>) semaphore(%arg16 : memref<!tpu.dma_semaphore, #tpu.memory_space<semaphore_mem>>) {add = true}
      %add3A_46 = arith.constant 1 : i32
      %add3A_47 = arith.addi %add3A_31, %add3A_46 : i32
      %lt3A_48 = arith.constant 250 : i32
      %lt3A_49 = arith.cmpi slt, %add3A_47, %lt3A_48 : i32
      %convert_element_type3A_50 = arith.extui %lt3A_49 : i1 to i32
      %cond3A_51 = arith.constant 0 : i32
      %cond3A_52 = arith.cmpi ne, %convert_element_type3A_50, %cond3A_51 : i32
      scf.if %cond3A_52 {
        %dma_wait3A_82 = arith.constant 0 : i32
        %dma_wait3A_83 = tpu.memref_slice %arg2[%dma_wait3A_82] : memref<3200000xi32, #tpu.memory_space<hbm>> -> memref<400xi32, #tpu.memory_space<hbm>>
        %dma_wait3A_84 = arith.constant 0 : i32
        %dma_wait3A_85 = tpu.memref_slice %arg2[%dma_wait3A_84] : memref<3200000xi32, #tpu.memory_space<hbm>> -> memref<400xi32, #tpu.memory_space<hbm>>
        tpu.wait_dma2 semaphore(%arg14 : memref<!tpu.dma_semaphore, #tpu.memory_space<semaphore_mem>>) src(%dma_wait3A_85 : memref<400xi32, #tpu.memory_space<hbm>>) dst(%arg8 : memref<400xi32, #tpu.memory_space<vmem>>)
        %dma_wait3A_86 = arith.constant 0 : i32
        %dma_wait3A_87 = tpu.memref_slice %arg3[%dma_wait3A_86] : memref<3200000xi32, #tpu.memory_space<hbm>> -> memref<400xi32, #tpu.memory_space<hbm>>
        %dma_wait3A_88 = arith.constant 0 : i32
        %dma_wait3A_89 = tpu.memref_slice %arg3[%dma_wait3A_88] : memref<3200000xi32, #tpu.memory_space<hbm>> -> memref<400xi32, #tpu.memory_space<hbm>>
        tpu.wait_dma2 semaphore(%arg14 : memref<!tpu.dma_semaphore, #tpu.memory_space<semaphore_mem>>) src(%dma_wait3A_89 : memref<400xi32, #tpu.memory_space<hbm>>) dst(%arg10 : memref<400xi32, #tpu.memory_space<vmem>>)
        %dma_start3A_90 = arith.constant 0 : i32
        %dma_start3A_91 = arith.constant 0 : i32
        %dma_start3A_92 = tpu.memref_slice %arg4[%dma_start3A_90, %dma_start3A_91] : memref<100352x16xf32, #tpu.memory_space<hbm>> -> memref<100352x16xf32, #tpu.memory_space<hbm>>
        tpu.enqueue_indirect_dma source(%dma_start3A_92 : memref<100352x16xf32, #tpu.memory_space<hbm>>) target(%arg12 : memref<400x16xf32, #tpu.memory_space<vmem>>) offsets(%arg8 : memref<400xi32, #tpu.memory_space<vmem>>) semaphore(%arg15 : memref<!tpu.dma_semaphore, #tpu.memory_space<semaphore_mem>>)
      } else {
      }
      %mul3A_53 = arith.constant 2 : i32
      %mul3A_54 = arith.muli %mul3A_53, %add3A_27 : i32
      %add3A_55 = arith.constant 1 : i32
      %add3A_56 = arith.addi %mul3A_54, %add3A_55 : i32
      %gt3A_57 = arith.constant 0 : i32
      %gt3A_58 = arith.cmpi sgt, %add3A_56, %gt3A_57 : i32
      %convert_element_type3A_59 = arith.extui %gt3A_58 : i1 to i32
      %cond3A_60 = arith.constant 0 : i32
      %cond3A_61 = arith.cmpi ne, %convert_element_type3A_59, %cond3A_60 : i32
      scf.if %cond3A_61 {
        %dma_wait3A_82 = arith.constant 0 : i32
        %dma_wait3A_83 = arith.constant 0 : i32
        %dma_wait3A_84 = tpu.memref_slice %arg13[%dma_wait3A_82, %dma_wait3A_83] : memref<100352x16xf32, #tpu.memory_space<vmem_shared>> -> memref<100352x16xf32, #tpu.memory_space<vmem_shared>>
        tpu.wait_indirect_dma semaphore(%arg16 : memref<!tpu.dma_semaphore, #tpu.memory_space<semaphore_mem>>) src(%arg11 : memref<400x16xf32, #tpu.memory_space<vmem>>) dst(%dma_wait3A_84 : memref<100352x16xf32, #tpu.memory_space<vmem_shared>>)
      } else {
      }
      %add3A_62 = arith.constant 1 : i32
      %add3A_63 = arith.addi %add3A_56, %add3A_62 : i32
      %lt3A_64 = arith.constant 250 : i32
      %lt3A_65 = arith.cmpi slt, %add3A_63, %lt3A_64 : i32
      %convert_element_type3A_66 = arith.extui %lt3A_65 : i1 to i32
      %cond3A_67 = arith.constant 0 : i32
      %cond3A_68 = arith.cmpi ne, %convert_element_type3A_66, %cond3A_67 : i32
      scf.if %cond3A_68 {
        %add3A_82 = arith.constant 1 : i32
        %add3A_83 = arith.addi %add3A_56, %add3A_82 : i32
        %mul3A_84 = arith.constant 400 : i32
        %mul3A_85 = arith.muli %add3A_83, %mul3A_84 : i32
        %add3A_86 = arith.addi %mul3A_6, %mul3A_85 : i32
        %dma_start3A_87 = tpu.memref_slice %arg2[%add3A_86] : memref<3200000xi32, #tpu.memory_space<hbm>> -> memref<400xi32, #tpu.memory_space<hbm>>
        %dma_start3A_88 = tpu.memref_slice %arg2[%add3A_86] : memref<3200000xi32, #tpu.memory_space<hbm>> -> memref<400xi32, #tpu.memory_space<hbm>>
        tpu.enqueue_dma source(%dma_start3A_88 : memref<400xi32, #tpu.memory_space<hbm>>) target(%arg7 : memref<400xi32, #tpu.memory_space<vmem>>) target_semaphore(%arg14 : memref<!tpu.dma_semaphore, #tpu.memory_space<semaphore_mem>>)
        %add3A_89 = arith.constant 1 : i32
        %add3A_90 = arith.addi %add3A_56, %add3A_89 : i32
        %mul3A_91 = arith.constant 400 : i32
        %mul3A_92 = arith.muli %add3A_90, %mul3A_91 : i32
        %add3A_93 = arith.addi %mul3A_6, %mul3A_92 : i32
        %dma_start3A_94 = tpu.memref_slice %arg3[%add3A_93] : memref<3200000xi32, #tpu.memory_space<hbm>> -> memref<400xi32, #tpu.memory_space<hbm>>
        %dma_start3A_95 = tpu.memref_slice %arg3[%add3A_93] : memref<3200000xi32, #tpu.memory_space<hbm>> -> memref<400xi32, #tpu.memory_space<hbm>>
        tpu.enqueue_dma source(%dma_start3A_95 : memref<400xi32, #tpu.memory_space<hbm>>) target(%arg9 : memref<400xi32, #tpu.memory_space<vmem>>) target_semaphore(%arg14 : memref<!tpu.dma_semaphore, #tpu.memory_space<semaphore_mem>>)
      } else {
      }
      %dma_wait3A_69 = arith.constant 0 : i32
      %dma_wait3A_70 = arith.constant 0 : i32
      %dma_wait3A_71 = tpu.memref_slice %arg4[%dma_wait3A_69, %dma_wait3A_70] : memref<100352x16xf32, #tpu.memory_space<hbm>> -> memref<100352x16xf32, #tpu.memory_space<hbm>>
      tpu.wait_indirect_dma semaphore(%arg15 : memref<!tpu.dma_semaphore, #tpu.memory_space<semaphore_mem>>) src(%dma_wait3A_71 : memref<100352x16xf32, #tpu.memory_space<hbm>>) dst(%arg12 : memref<400x16xf32, #tpu.memory_space<vmem>>)
      %dma_start3A_72 = arith.constant 0 : i32
      %dma_start3A_73 = arith.constant 0 : i32
      %dma_start3A_74 = tpu.memref_slice %arg13[%dma_start3A_72, %dma_start3A_73] : memref<100352x16xf32, #tpu.memory_space<vmem_shared>> -> memref<100352x16xf32, #tpu.memory_space<vmem_shared>>
      tpu.enqueue_indirect_dma source(%arg12 : memref<400x16xf32, #tpu.memory_space<vmem>>) target(%dma_start3A_74 : memref<100352x16xf32, #tpu.memory_space<vmem_shared>>) offsets(%arg10 : memref<400xi32, #tpu.memory_space<vmem>>) semaphore(%arg16 : memref<!tpu.dma_semaphore, #tpu.memory_space<semaphore_mem>>) {add = true}
      %add3A_75 = arith.constant 1 : i32
      %add3A_76 = arith.addi %add3A_56, %add3A_75 : i32
      %lt3A_77 = arith.constant 250 : i32
      %lt3A_78 = arith.cmpi slt, %add3A_76, %lt3A_77 : i32
      %convert_element_type3A_79 = arith.extui %lt3A_78 : i1 to i32
      %cond3A_80 = arith.constant 0 : i32
      %cond3A_81 = arith.cmpi ne, %convert_element_type3A_79, %cond3A_80 : i32
      scf.if %cond3A_81 {
        %dma_wait3A_82 = arith.constant 0 : i32
        %dma_wait3A_83 = tpu.memref_slice %arg2[%dma_wait3A_82] : memref<3200000xi32, #tpu.memory_space<hbm>> -> memref<400xi32, #tpu.memory_space<hbm>>
        %dma_wait3A_84 = arith.constant 0 : i32
        %dma_wait3A_85 = tpu.memref_slice %arg2[%dma_wait3A_84] : memref<3200000xi32, #tpu.memory_space<hbm>> -> memref<400xi32, #tpu.memory_space<hbm>>
        tpu.wait_dma2 semaphore(%arg14 : memref<!tpu.dma_semaphore, #tpu.memory_space<semaphore_mem>>) src(%dma_wait3A_85 : memref<400xi32, #tpu.memory_space<hbm>>) dst(%arg7 : memref<400xi32, #tpu.memory_space<vmem>>)
        %dma_wait3A_86 = arith.constant 0 : i32
        %dma_wait3A_87 = tpu.memref_slice %arg3[%dma_wait3A_86] : memref<3200000xi32, #tpu.memory_space<hbm>> -> memref<400xi32, #tpu.memory_space<hbm>>
        %dma_wait3A_88 = arith.constant 0 : i32
        %dma_wait3A_89 = tpu.memref_slice %arg3[%dma_wait3A_88] : memref<3200000xi32, #tpu.memory_space<hbm>> -> memref<400xi32, #tpu.memory_space<hbm>>
        tpu.wait_dma2 semaphore(%arg14 : memref<!tpu.dma_semaphore, #tpu.memory_space<semaphore_mem>>) src(%dma_wait3A_89 : memref<400xi32, #tpu.memory_space<hbm>>) dst(%arg9 : memref<400xi32, #tpu.memory_space<vmem>>)
        %dma_start3A_90 = arith.constant 0 : i32
        %dma_start3A_91 = arith.constant 0 : i32
        %dma_start3A_92 = tpu.memref_slice %arg4[%dma_start3A_90, %dma_start3A_91] : memref<100352x16xf32, #tpu.memory_space<hbm>> -> memref<100352x16xf32, #tpu.memory_space<hbm>>
        tpu.enqueue_indirect_dma source(%dma_start3A_92 : memref<100352x16xf32, #tpu.memory_space<hbm>>) target(%arg11 : memref<400x16xf32, #tpu.memory_space<vmem>>) offsets(%arg7 : memref<400xi32, #tpu.memory_space<vmem>>) semaphore(%arg15 : memref<!tpu.dma_semaphore, #tpu.memory_space<semaphore_mem>>)
      } else {
      }
    }
    %scan3A_12 = arith.constant 125 : i32
    %dma_wait3A = arith.constant 0 : i32
    %dma_wait3A_13 = arith.constant 0 : i32
    %dma_wait3A_14 = tpu.memref_slice %arg13[%dma_wait3A, %dma_wait3A_13] : memref<100352x16xf32, #tpu.memory_space<vmem_shared>> -> memref<100352x16xf32, #tpu.memory_space<vmem_shared>>
    tpu.wait_indirect_dma semaphore(%arg16 : memref<!tpu.dma_semaphore, #tpu.memory_space<semaphore_mem>>) src(%arg12 : memref<400x16xf32, #tpu.memory_space<vmem>>) dst(%dma_wait3A_14 : memref<100352x16xf32, #tpu.memory_space<vmem_shared>>)
    %barrier3A_15 = arith.constant 0 : index
    tpu.barrier barrier_id(%barrier3A_15)
    %mul3A_16 = arith.constant 6272 : i32
    %mul3A_17 = arith.muli %arg1, %mul3A_16 : i32
    %mul3A_18 = arith.constant 100352 : i32
    %mul3A_19 = arith.muli %arg0, %mul3A_18 : i32
    %mul3A_20 = arith.constant 6272 : i32
    %mul3A_21 = arith.muli %arg1, %mul3A_20 : i32
    %add3A_22 = arith.addi %mul3A_19, %mul3A_21 : i32
    "tpu.region"() ({
      %run_scoped3A = tpu.sem_alloc : memref<!tpu.dma_semaphore, #tpu.memory_space<semaphore_mem>>
      %dma_start3A_23 = arith.constant 0 : i32
      %dma_start3A_24 = tpu.memref_slice %arg6[%add3A_22, %dma_start3A_23] : memref<200704x16xf32, #tpu.memory_space<hbm>> -> memref<6272x16xf32, #tpu.memory_space<hbm>>
      %dma_start3A_25 = arith.constant 0 : i32
      %dma_start3A_26 = tpu.memref_slice %arg13[%mul3A_17, %dma_start3A_25] : memref<100352x16xf32, #tpu.memory_space<vmem_shared>> -> memref<6272x16xf32, #tpu.memory_space<vmem_shared>>
      tpu.enqueue_dma source(%dma_start3A_26 : memref<6272x16xf32, #tpu.memory_space<vmem_shared>>) target(%dma_start3A_24 : memref<6272x16xf32, #tpu.memory_space<hbm>>) target_semaphore(%run_scoped3A : memref<!tpu.dma_semaphore, #tpu.memory_space<semaphore_mem>>)
      %dma_wait3A_27 = arith.constant 0 : i32
      %dma_wait3A_28 = tpu.memref_slice %arg6[%add3A_22, %dma_wait3A_27] : memref<200704x16xf32, #tpu.memory_space<hbm>> -> memref<6272x16xf32, #tpu.memory_space<hbm>>
      %dma_wait3A_29 = arith.constant 0 : i32
      %dma_wait3A_30 = tpu.memref_slice %arg13[%mul3A_17, %dma_wait3A_29] : memref<100352x16xf32, #tpu.memory_space<vmem_shared>> -> memref<6272x16xf32, #tpu.memory_space<vmem_shared>>
      tpu.wait_dma2 semaphore(%run_scoped3A : memref<!tpu.dma_semaphore, #tpu.memory_space<semaphore_mem>>) src(%dma_wait3A_30 : memref<6272x16xf32, #tpu.memory_space<vmem_shared>>) dst(%dma_wait3A_28 : memref<6272x16xf32, #tpu.memory_space<hbm>>)
      tpu.yield
    }) : () -> ()
    return
  }
}

module attributes {stable_mosaic.version = 14 : i64} {
  func.func @_tc1_body(%arg0: i32, %arg1: memref<896x128xf32, #tpu.memory_space<vmem>>, %arg2: memref<896x128xf32, #tpu.memory_space<vmem>>, %arg3: memref<896x256xf32, #tpu.memory_space<vmem>>, %arg4: memref<128x256xf32, #tpu.memory_space<vmem>>, %arg5: memref<256x256xf32, #tpu.memory_space<vmem>>, %arg6: memref<896x256xf32, #tpu.memory_space<vmem>>) attributes {dimension_semantics = [#tpu.dimension_semantics<arbitrary>], iteration_bounds = array<i64: 7>, scalar_prefetch = 0 : i64, scratch_operands = 0 : i64, tpu.core_type = #tpu.core_type<tc>, window_params = [{transform_indices = @transform_0, window_bounds = array<i64: 896, 128>}, {transform_indices = @transform_1, window_bounds = array<i64: 896, 128>}, {transform_indices = @transform_2, window_bounds = array<i64: 896, 256>}, {pipeline_mode = #tpu.pipeline_mode<synchronous>, transform_indices = @transform_3, window_bounds = array<i64: 128, 256>}, {pipeline_mode = #tpu.pipeline_mode<synchronous>, transform_indices = @transform_4, window_bounds = array<i64: 256, 256>}, {transform_indices = @transform_5, window_bounds = array<i64: 896, 256>}]} {
    %get3A = arith.constant 0 : index
    %get3A_0 = arith.constant 0 : index
    %get3A_1 = vector.load %arg1[%get3A, %get3A_0] : memref<896x128xf32, #tpu.memory_space<vmem>>, vector<896x128xf32>
    %get3A_2 = arith.constant 0 : index
    %get3A_3 = arith.constant 0 : index
    %get3A_4 = vector.load %arg2[%get3A_2, %get3A_3] : memref<896x128xf32, #tpu.memory_space<vmem>>, vector<896x128xf32>
    %add3A = arith.addf %get3A_1, %get3A_4 : vector<896x128xf32>
    %get3A_5 = arith.constant 0 : index
    %get3A_6 = arith.constant 0 : index
    %get3A_7 = vector.load %arg4[%get3A_5, %get3A_6] : memref<128x256xf32, #tpu.memory_space<vmem>>, vector<128x256xf32>
    %dot_general3A = arith.constant dense<0.000000e+00> : vector<896x256xf32>
    %dot_general3A_8 = tpu.matmul %add3A, %get3A_7, %dot_general3A {dimension_numbers = #tpu.dot_dimension_numbers<[1], [0], [0], [1], [0, 0, 1, 1], [], []>, transpose_lhs_hint = false} : vector<896x128xf32>, vector<128x256xf32>, vector<896x256xf32> -> vector<896x256xf32>
    %add3A_9 = arith.constant 1.000000e+00 : f32
    %add3A_10 = vector.broadcast %add3A_9 : f32 to vector<896x256xf32>
    %add3A_11 = arith.addf %dot_general3A_8, %add3A_10 : vector<896x256xf32>
    %rsqrt3A = math.rsqrt %add3A_11 : vector<896x256xf32>
    %get3A_12 = arith.constant 0 : index
    %get3A_13 = arith.constant 0 : index
    %get3A_14 = vector.load %arg3[%get3A_12, %get3A_13] : memref<896x256xf32, #tpu.memory_space<vmem>>, vector<896x256xf32>
    %get3A_15 = arith.constant 0 : index
    %get3A_16 = arith.constant 0 : index
    %get3A_17 = vector.load %arg5[%get3A_15, %get3A_16] : memref<256x256xf32, #tpu.memory_space<vmem>>, vector<256x256xf32>
    %dot_general3A_18 = arith.constant dense<0.000000e+00> : vector<896x256xf32>
    %dot_general3A_19 = tpu.matmul %get3A_14, %get3A_17, %dot_general3A_18 {dimension_numbers = #tpu.dot_dimension_numbers<[1], [0], [0], [1], [0, 0, 1, 1], [], []>, transpose_lhs_hint = false} : vector<896x256xf32>, vector<256x256xf32>, vector<896x256xf32> -> vector<896x256xf32>
    %mul3A = arith.mulf %dot_general3A_19, %rsqrt3A : vector<896x256xf32>
    %swap3A = arith.constant 0 : index
    %swap3A_20 = arith.constant 0 : index
    %swap3A_21 = vector.load %arg6[%swap3A, %swap3A_20] : memref<896x256xf32, #tpu.memory_space<vmem>>, vector<896x256xf32>
    tpu.vector_store %arg6[%swap3A, %swap3A_20], %mul3A {strides = array<i32>} : memref<896x256xf32, #tpu.memory_space<vmem>>, vector<896x256xf32>,
    return
  }
  func.func @transform_0(%arg0: i32) -> (i32, i32) {
    %add3A = arith.constant 0 : i32
    %add3A_0 = arith.addi %arg0, %add3A : i32
    %c0_i32 = arith.constant 0 : i32
    %c0_i32_1 = arith.constant 0 : i32
    return %add3A_0, %c0_i32 : i32, i32
  }
  func.func @transform_1(%arg0: i32) -> (i32, i32) {
    %add3A = arith.constant 7 : i32
    %add3A_0 = arith.addi %arg0, %add3A : i32
    %c0_i32 = arith.constant 0 : i32
    %c0_i32_1 = arith.constant 0 : i32
    return %add3A_0, %c0_i32 : i32, i32
  }
  func.func @transform_2(%arg0: i32) -> (i32, i32) {
    %c0_i32 = arith.constant 0 : i32
    %c0_i32_0 = arith.constant 0 : i32
    return %arg0, %c0_i32 : i32, i32
  }
  func.func @transform_3(%arg0: i32) -> (i32, i32) {
    %c0_i32 = arith.constant 0 : i32
    %c0_i32_0 = arith.constant 0 : i32
    %c0_i32_1 = arith.constant 0 : i32
    return %c0_i32, %c0_i32_0 : i32, i32
  }
  func.func @transform_4(%arg0: i32) -> (i32, i32) {
    %c0_i32 = arith.constant 0 : i32
    %c0_i32_0 = arith.constant 0 : i32
    %c0_i32_1 = arith.constant 0 : i32
    return %c0_i32, %c0_i32_0 : i32, i32
  }
  func.func @transform_5(%arg0: i32) -> (i32, i32) {
    %c0_i32 = arith.constant 0 : i32
    %c0_i32_0 = arith.constant 0 : i32
    return %arg0, %c0_i32 : i32, i32
  }
}

module attributes {stable_mosaic.version = 14 : i64} {
  func.func @_tc2_body(%arg0: i32, %arg1: memref<896x128xf32, #tpu.memory_space<vmem>>, %arg2: memref<896x128xf32, #tpu.memory_space<vmem>>, %arg3: memref<896x256xf32, #tpu.memory_space<vmem>>, %arg4: memref<896x256xf32, #tpu.memory_space<vmem>>, %arg5: memref<896x256xf32, #tpu.memory_space<vmem>>, %arg6: memref<128x256xf32, #tpu.memory_space<vmem>>, %arg7: memref<256x128xf32, #tpu.memory_space<vmem>>, %arg8: memref<1x256xf32, #tpu.memory_space<vmem>>, %arg9: memref<896x128xf32, #tpu.memory_space<vmem>>) attributes {dimension_semantics = [#tpu.dimension_semantics<arbitrary>], iteration_bounds = array<i64: 7>, scalar_prefetch = 0 : i64, scratch_operands = 0 : i64, tpu.core_type = #tpu.core_type<tc>, window_params = [{transform_indices = @transform_0, window_bounds = array<i64: 896, 128>}, {transform_indices = @transform_1, window_bounds = array<i64: 896, 128>}, {transform_indices = @transform_2, window_bounds = array<i64: 896, 256>}, {transform_indices = @transform_3, window_bounds = array<i64: 896, 256>}, {transform_indices = @transform_4, window_bounds = array<i64: 896, 256>}, {pipeline_mode = #tpu.pipeline_mode<synchronous>, transform_indices = @transform_5, window_bounds = array<i64: 128, 256>}, {pipeline_mode = #tpu.pipeline_mode<synchronous>, transform_indices = @transform_6, window_bounds = array<i64: 256, 128>}, {pipeline_mode = #tpu.pipeline_mode<synchronous>, transform_indices = @transform_7, window_bounds = array<i64: 1, 256>}, {transform_indices = @transform_8, window_bounds = array<i64: 896, 128>}]} {
    %get3A = arith.constant 0 : index
    %get3A_0 = arith.constant 0 : index
    %get3A_1 = vector.load %arg1[%get3A, %get3A_0] : memref<896x128xf32, #tpu.memory_space<vmem>>, vector<896x128xf32>
    %get3A_2 = arith.constant 0 : index
    %get3A_3 = arith.constant 0 : index
    %get3A_4 = vector.load %arg2[%get3A_2, %get3A_3] : memref<896x128xf32, #tpu.memory_space<vmem>>, vector<896x128xf32>
    %add3A = arith.addf %get3A_1, %get3A_4 : vector<896x128xf32>
    %get3A_5 = arith.constant 0 : index
    %get3A_6 = arith.constant 0 : index
    %get3A_7 = vector.load %arg6[%get3A_5, %get3A_6] : memref<128x256xf32, #tpu.memory_space<vmem>>, vector<128x256xf32>
    %dot_general3A = arith.constant dense<0.000000e+00> : vector<896x256xf32>
    %dot_general3A_8 = tpu.matmul %add3A, %get3A_7, %dot_general3A {dimension_numbers = #tpu.dot_dimension_numbers<[1], [0], [0], [1], [0, 0, 1, 1], [], []>, transpose_lhs_hint = false} : vector<896x128xf32>, vector<128x256xf32>, vector<896x256xf32> -> vector<896x256xf32>
    %add3A_9 = arith.constant 1.000000e+00 : f32
    %add3A_10 = vector.broadcast %add3A_9 : f32 to vector<896x256xf32>
    %add3A_11 = arith.addf %dot_general3A_8, %add3A_10 : vector<896x256xf32>
    %rsqrt3A = math.rsqrt %add3A_11 : vector<896x256xf32>
    %add3A_12 = arith.constant 1.000000e+00 : f32
    %add3A_13 = vector.broadcast %add3A_12 : f32 to vector<896x128xf32>
    %add3A_14 = arith.addf %add3A, %add3A_13 : vector<896x128xf32>
    %rsqrt3A_15 = math.rsqrt %add3A_14 : vector<896x128xf32>
    %get3A_16 = arith.constant 0 : index
    %get3A_17 = arith.constant 0 : index
    %get3A_18 = vector.load %arg3[%get3A_16, %get3A_17] : memref<896x256xf32, #tpu.memory_space<vmem>>, vector<896x256xf32>
    %get3A_19 = arith.constant 0 : index
    %get3A_20 = arith.constant 0 : index
    %get3A_21 = vector.load %arg4[%get3A_19, %get3A_20] : memref<896x256xf32, #tpu.memory_space<vmem>>, vector<896x256xf32>
    %add3A_22 = arith.addf %get3A_18, %get3A_21 : vector<896x256xf32>
    %get3A_23 = arith.constant 0 : index
    %get3A_24 = arith.constant 0 : index
    %get3A_25 = vector.load %arg5[%get3A_23, %get3A_24] : memref<896x256xf32, #tpu.memory_space<vmem>>, vector<896x256xf32>
    %add3A_26 = arith.addf %add3A_22, %get3A_25 : vector<896x256xf32>
    %mul3A = arith.mulf %rsqrt3A, %add3A_26 : vector<896x256xf32>
    %get3A_27 = arith.constant 0 : index
    %get3A_28 = arith.constant 0 : index
    %get3A_29 = vector.load %arg8[%get3A_27, %get3A_28] : memref<1x256xf32, #tpu.memory_space<vmem>>, vector<1x256xf32>
    %add3A_30 = vector.broadcast %get3A_29 : vector<1x256xf32> to vector<896x256xf32>
    %add3A_31 = arith.addf %mul3A, %add3A_30 : vector<896x256xf32>
    %max3A = arith.constant 0.000000e+00 : f32
    %max3A_32 = vector.broadcast %max3A : f32 to vector<896x256xf32>
    %max3A_33 = arith.maximumf %add3A_31, %max3A_32 : vector<896x256xf32>
    %get3A_34 = arith.constant 0 : index
    %get3A_35 = arith.constant 0 : index
    %get3A_36 = vector.load %arg7[%get3A_34, %get3A_35] : memref<256x128xf32, #tpu.memory_space<vmem>>, vector<256x128xf32>
    %dot_general3A_37 = arith.constant dense<0.000000e+00> : vector<896x128xf32>
    %dot_general3A_38 = tpu.matmul %max3A_33, %get3A_36, %dot_general3A_37 {dimension_numbers = #tpu.dot_dimension_numbers<[1], [0], [0], [1], [0, 0, 1, 1], [], []>, transpose_lhs_hint = false} : vector<896x256xf32>, vector<256x128xf32>, vector<896x128xf32> -> vector<896x128xf32>
    %mul3A_39 = arith.mulf %dot_general3A_38, %rsqrt3A_15 : vector<896x128xf32>
    %swap3A = arith.constant 0 : index
    %swap3A_40 = arith.constant 0 : index
    %swap3A_41 = vector.load %arg9[%swap3A, %swap3A_40] : memref<896x128xf32, #tpu.memory_space<vmem>>, vector<896x128xf32>
    tpu.vector_store %arg9[%swap3A, %swap3A_40], %mul3A_39 {strides = array<i32>} : memref<896x128xf32, #tpu.memory_space<vmem>>, vector<896x128xf32>,
    return
  }
  func.func @transform_0(%arg0: i32) -> (i32, i32) {
    %add3A = arith.constant 0 : i32
    %add3A_0 = arith.addi %arg0, %add3A : i32
    %c0_i32 = arith.constant 0 : i32
    %c0_i32_1 = arith.constant 0 : i32
    return %add3A_0, %c0_i32 : i32, i32
  }
  func.func @transform_1(%arg0: i32) -> (i32, i32) {
    %add3A = arith.constant 7 : i32
    %add3A_0 = arith.addi %arg0, %add3A : i32
    %c0_i32 = arith.constant 0 : i32
    %c0_i32_1 = arith.constant 0 : i32
    return %add3A_0, %c0_i32 : i32, i32
  }
  func.func @transform_2(%arg0: i32) -> (i32, i32) {
    %add3A = arith.constant 0 : i32
    %add3A_0 = arith.addi %arg0, %add3A : i32
    %c0_i32 = arith.constant 0 : i32
    %c0_i32_1 = arith.constant 0 : i32
    return %add3A_0, %c0_i32 : i32, i32
  }
  func.func @transform_3(%arg0: i32) -> (i32, i32) {
    %add3A = arith.constant 7 : i32
    %add3A_0 = arith.addi %arg0, %add3A : i32
    %c0_i32 = arith.constant 0 : i32
    %c0_i32_1 = arith.constant 0 : i32
    return %add3A_0, %c0_i32 : i32, i32
  }
  func.func @transform_4(%arg0: i32) -> (i32, i32) {
    %c0_i32 = arith.constant 0 : i32
    %c0_i32_0 = arith.constant 0 : i32
    return %arg0, %c0_i32 : i32, i32
  }
  func.func @transform_5(%arg0: i32) -> (i32, i32) {
    %c0_i32 = arith.constant 0 : i32
    %c0_i32_0 = arith.constant 0 : i32
    %c0_i32_1 = arith.constant 0 : i32
    return %c0_i32, %c0_i32_0 : i32, i32
  }
  func.func @transform_6(%arg0: i32) -> (i32, i32) {
    %c0_i32 = arith.constant 0 : i32
    %c0_i32_0 = arith.constant 0 : i32
    %c0_i32_1 = arith.constant 0 : i32
    return %c0_i32, %c0_i32_0 : i32, i32
  }
  func.func @transform_7(%arg0: i32) -> (i32, i32) {
    %c0_i32 = arith.constant 0 : i32
    %c0_i32_0 = arith.constant 0 : i32
    %c0_i32_1 = arith.constant 0 : i32
    return %c0_i32, %c0_i32_0 : i32, i32
  }
  func.func @transform_8(%arg0: i32) -> (i32, i32) {
    %c0_i32 = arith.constant 0 : i32
    %c0_i32_0 = arith.constant 0 : i32
    return %arg0, %c0_i32 : i32, i32
  }
}

module attributes {stable_mosaic.version = 14 : i64} {
  func.func @_tc3_body(%arg0: i32, %arg1: memref<896x128xf32, #tpu.memory_space<vmem>>, %arg2: memref<896x128xf32, #tpu.memory_space<vmem>>, %arg3: memref<896x128xf32, #tpu.memory_space<vmem>>, %arg4: memref<896x128xf32, #tpu.memory_space<vmem>>, %arg5: memref<896x128xf32, #tpu.memory_space<vmem>>, %arg6: memref<1x128xf32, #tpu.memory_space<vmem>>, %arg7: memref<896x128xf32, #tpu.memory_space<vmem>>) attributes {dimension_semantics = [#tpu.dimension_semantics<arbitrary>], iteration_bounds = array<i64: 7>, scalar_prefetch = 0 : i64, scratch_operands = 0 : i64, tpu.core_type = #tpu.core_type<tc>, window_params = [{transform_indices = @transform_0, window_bounds = array<i64: 896, 128>}, {transform_indices = @transform_1, window_bounds = array<i64: 896, 128>}, {transform_indices = @transform_2, window_bounds = array<i64: 896, 128>}, {transform_indices = @transform_3, window_bounds = array<i64: 896, 128>}, {transform_indices = @transform_4, window_bounds = array<i64: 896, 128>}, {pipeline_mode = #tpu.pipeline_mode<synchronous>, transform_indices = @transform_5, window_bounds = array<i64: 1, 128>}, {transform_indices = @transform_6, window_bounds = array<i64: 896, 128>}]} {
    %get3A = arith.constant 0 : index
    %get3A_0 = arith.constant 0 : index
    %get3A_1 = vector.load %arg1[%get3A, %get3A_0] : memref<896x128xf32, #tpu.memory_space<vmem>>, vector<896x128xf32>
    %get3A_2 = arith.constant 0 : index
    %get3A_3 = arith.constant 0 : index
    %get3A_4 = vector.load %arg2[%get3A_2, %get3A_3] : memref<896x128xf32, #tpu.memory_space<vmem>>, vector<896x128xf32>
    %add3A = arith.addf %get3A_1, %get3A_4 : vector<896x128xf32>
    %add3A_5 = arith.constant 1.000000e+00 : f32
    %add3A_6 = vector.broadcast %add3A_5 : f32 to vector<896x128xf32>
    %add3A_7 = arith.addf %add3A, %add3A_6 : vector<896x128xf32>
    %rsqrt3A = math.rsqrt %add3A_7 : vector<896x128xf32>
    %get3A_8 = arith.constant 0 : index
    %get3A_9 = arith.constant 0 : index
    %get3A_10 = vector.load %arg3[%get3A_8, %get3A_9] : memref<896x128xf32, #tpu.memory_space<vmem>>, vector<896x128xf32>
    %get3A_11 = arith.constant 0 : index
    %get3A_12 = arith.constant 0 : index
    %get3A_13 = vector.load %arg4[%get3A_11, %get3A_12] : memref<896x128xf32, #tpu.memory_space<vmem>>, vector<896x128xf32>
    %add3A_14 = arith.addf %get3A_10, %get3A_13 : vector<896x128xf32>
    %get3A_15 = arith.constant 0 : index
    %get3A_16 = arith.constant 0 : index
    %get3A_17 = vector.load %arg5[%get3A_15, %get3A_16] : memref<896x128xf32, #tpu.memory_space<vmem>>, vector<896x128xf32>
    %add3A_18 = arith.addf %add3A_14, %get3A_17 : vector<896x128xf32>
    %mul3A = arith.mulf %rsqrt3A, %add3A_18 : vector<896x128xf32>
    %get3A_19 = arith.constant 0 : index
    %get3A_20 = arith.constant 0 : index
    %get3A_21 = vector.load %arg6[%get3A_19, %get3A_20] : memref<1x128xf32, #tpu.memory_space<vmem>>, vector<1x128xf32>
    %add3A_22 = vector.broadcast %get3A_21 : vector<1x128xf32> to vector<896x128xf32>
    %add3A_23 = arith.addf %mul3A, %add3A_22 : vector<896x128xf32>
    %swap3A = arith.constant 0 : index
    %swap3A_24 = arith.constant 0 : index
    %swap3A_25 = vector.load %arg7[%swap3A, %swap3A_24] : memref<896x128xf32, #tpu.memory_space<vmem>>, vector<896x128xf32>
    tpu.vector_store %arg7[%swap3A, %swap3A_24], %add3A_23 {strides = array<i32>} : memref<896x128xf32, #tpu.memory_space<vmem>>, vector<896x128xf32>,
    return
  }
  func.func @transform_0(%arg0: i32) -> (i32, i32) {
    %add3A = arith.constant 0 : i32
    %add3A_0 = arith.addi %arg0, %add3A : i32
    %c0_i32 = arith.constant 0 : i32
    %c0_i32_1 = arith.constant 0 : i32
    return %add3A_0, %c0_i32 : i32, i32
  }
  func.func @transform_1(%arg0: i32) -> (i32, i32) {
    %add3A = arith.constant 7 : i32
    %add3A_0 = arith.addi %arg0, %add3A : i32
    %c0_i32 = arith.constant 0 : i32
    %c0_i32_1 = arith.constant 0 : i32
    return %add3A_0, %c0_i32 : i32, i32
  }
  func.func @transform_2(%arg0: i32) -> (i32, i32) {
    %add3A = arith.constant 0 : i32
    %add3A_0 = arith.addi %arg0, %add3A : i32
    %c0_i32 = arith.constant 0 : i32
    %c0_i32_1 = arith.constant 0 : i32
    return %add3A_0, %c0_i32 : i32, i32
  }
  func.func @transform_3(%arg0: i32) -> (i32, i32) {
    %add3A = arith.constant 7 : i32
    %add3A_0 = arith.addi %arg0, %add3A : i32
    %c0_i32 = arith.constant 0 : i32
    %c0_i32_1 = arith.constant 0 : i32
    return %add3A_0, %c0_i32 : i32, i32
  }
  func.func @transform_4(%arg0: i32) -> (i32, i32) {
    %c0_i32 = arith.constant 0 : i32
    %c0_i32_0 = arith.constant 0 : i32
    return %arg0, %c0_i32 : i32, i32
  }
  func.func @transform_5(%arg0: i32) -> (i32, i32) {
    %c0_i32 = arith.constant 0 : i32
    %c0_i32_0 = arith.constant 0 : i32
    %c0_i32_1 = arith.constant 0 : i32
    return %c0_i32, %c0_i32_0 : i32, i32
  }
  func.func @transform_6(%arg0: i32) -> (i32, i32) {
    %c0_i32 = arith.constant 0 : i32
    %c0_i32_0 = arith.constant 0 : i32
    return %arg0, %c0_i32 : i32, i32
  }
}

</mosaic_0001>

<sc_bundles>
// kernel: kernel.11.cloned.1.call-start
scs
__scs_entry_jumppad:
0x0: {  	(pc) =	sbr.rel $0x88, $3  }
0x1: {  	(tag) =	ssettag $0x0;
	lr =	simm.s32 $0x1  }
0x2: {  	[smem:$0x3F9B] =	sst lr;
	_ =	strace $0xD0000000  }
0x3: {  	_ = 	snop  }
0x4: {  	_ = 	snop  }
0x5: {  	_ = 	snop  }
0x6: {  	_ = 	snop  }
0x7: {  	_ = 	snop  }
__scs_overlays_trampoline_lowered:
0x8: {  	[smem:$0x3FAA] =	sst s0  }
0x9: {  	[smem:$0x3FAB] =	sst s1  }
0xa: {  	[smem:$0x3FAC] =	sst s2  }
0xb: {  	[smem:$0x3FAD] =	sst s3  }
0xc: {  	[smem:$0x3FAE] =	sst s4  }
0xd: {  	[smem:$0x3FAF] =	sst s5  }
0xe: {  	[smem:$0x3FB0] =	sst s6  }
0xf: {  	[smem:$0x3FB1] =	sst s7  }
0x10: {  	[smem:$0x3FB2] =	sst s8  }
0x11: {  	[smem:$0x3FB3] =	sst s9;
	s0 =	simm.s32 @!p0 $0x0  }
0x12: {  	s1 =	sld [smem:$0x3F99];
	s0 =	simm.s32 @p0 $0x1  }
0x13: {  	[smem:$0x3FB4] =	sst s0;
	s0 =	simm.s32 @!p1 $0x0  }
0x14: {  	s2 =	sld [smem:$0x3F98];
	s0 =	simm.s32 @p1 $0x1  }
0x15: {  	[smem:$0x3FB5] =	sst s0;
	s0 =	simm.s32 @!p2 $0x0  }
0x16: {  	s3 =	sld [smem:$0x3FDB];
	s0 =	simm.s32 @p2 $0x1  }
0x17: {  	s4 =	simm.s32 $0x1BF5;
	[smem:$0x3FB7] =	sst s0  }
0x18: {  	s0 =	sld [smem:$0x3F9A];
	_ =	swait.ge [sflag:s4], $0x0  }
0x19: {  	s7 =	sld [smem:$0x3F9B]  }
0x1a: {  	s8 =	sadd.s32 $0xFFFFE003, lr  }
0x1b: {  	s9 =	sadd.s32 $0xFFFFFEF7, lr;
	s5 =	simm.s32 $0xFFFFFFFF;
	p2 =	slt.u32 s8, $0xFFFFF086  }
0x1c: {  	p1 =	slt.u32 s9, $0xF7A;
	s5 =	simm.s32 @!p2 $0x0  }
0x1d: {  	s5 =	simm.s32 @p1 $0x1;
	p0 =	seq.s32 s7, s2  }
0x1e: {  	s7 =	smul.u32 @!p0 $0xF7A, s2;
	p2 =	seq.s32 @!p0 s5, $0x0  }
0x1f: {  	s9 =	smul.u32 $0xF7A, s1;
	s8 =	simm.s32 @!p0 $0x1BF5;
	p2 =	por !p2, p0  }
0x20: {  	[sflag:s8] =	ssyncset.s32 @!p0 $0xFFFFF086;
	s6 =	sadd.s32 @!p0 s3, s7;
	s7 =	simm.s32 @!p0 $0x108  }
0x21: {  	s3 =	sadd.s32 s3, s9;
	s6 =	sadd.s32 @!p0 $0x88, s6;
	s7 =	simm.s32 @p2 $0x1082  }
0x22: {  	[simem:s7], [sflag:s8] =	dma.local @!p0 [hbm:s6], $0xF7A  }
0x23: {  	s9 =	sor.u32 $0xD0000000, s2;
	s6 =	simm.s32 $0x108;
	_ =	swait.ge @!p0 [sflag:s8], $0x0  }
0x24: {  	s3 =	sadd.s32 $0x88, s3;
	s6 =	simm.s32 @!p1 $0x1082;
	[sflag:s4] =	ssyncset.s32 $0xFFFFF086  }
0x25: {  	[simem:s6], [sflag:s4] =	dma.local [hbm:s3], $0xF7A  }
0x26: {  	[smem:$0x3F9B] =	sst s1;
	(tag) =	ssettag s2;
	_ =	strace s9  }
0x27: {  	s1 =	sld [smem:$0x3FAB]  }
0x28: {  	s2 =	sld [smem:$0x3FAC]  }
0x29: {  	s4 =	sld [smem:$0x3FAE]  }
0x2a: {  	p0 =	seq.s32 s5, $0x0;
	s5 =	sld [smem:$0x3FAF]  }
0x2b: {  	s6 =	sld [smem:$0x3FB0]  }
0x2c: {  	s7 =	sld [smem:$0x3FB1]  }
0x2d: {  	s3 =	simm.s32 $0x108;
	s8 =	sld [smem:$0x3FB2]  }
0x2e: {  	s3 =	simm.s32 @!p0 $0x1082;
	s9 =	sld [smem:$0x3FB3]  }
0x2f: {  	lr =	sadd.s32 s0, s3;
	s0 =	sld [smem:$0x3FAA]  }
0x30: {  	s3 =	sld [smem:$0x3FAD]  }
0x31: {  	[smem:$0x3FB6] =	sst s10  }
0x32: {  	s10 =	sld [smem:$0x3FB4];
	_ =	sdelay $0x3  }
0x33: {  	p0 =	seq.s32 s10, $0x1;
	s10 =	sld [smem:$0x3FB6];
	_ =	sdelay $0x3  }
0x34: {  	[smem:$0x3FB6] =	sst s10  }
0x35: {  	s10 =	sld [smem:$0x3FB5];
	_ =	sdelay $0x3  }
0x36: {  	p1 =	seq.s32 s10, $0x1;
	s10 =	sld [smem:$0x3FB6];
	_ =	sdelay $0x3  }
0x37: {  	[smem:$0x3FB6] =	sst s10  }
0x38: {  	s10 =	sld [smem:$0x3FB7]  }
0x39: {  	_ = 	snop;
	(pc) =	sbr.ind lr, $3  }
0x3a: {  	_ = 	snop  }
0x3b: {  	_ = 	snop  }
0x3c: {  	p2 =	seq.s32 s10, $0x1;
	s10 =	sld [smem:$0x3FB6]  }
0x3d: {  	_ =	shalt  }
0x3e: {  	_ =	shalt  }
0x3f: {  	_ =	shalt  }
0x40: {  	_ =	shalt  }
0x41: {  	_ =	shalt  }
0x42: {  	_ =	shalt  }
0x43: {  	_ =	shalt  }
0x44: {  	_ =	shalt  }
0x45: {  	_ =	shalt  }
0x46: {  	_ =	shalt  }
0x47: {  	_ =	shalt  }
0x48: {  	_ =	shalt  }
0x49: {  	_ =	shalt  }
0x4a: {  	_ =	shalt  }
0x4b: {  	_ =	shalt  }
0x4c: {  	_ =	shalt  }
0x4d: {  	_ =	shalt  }
0x4e: {  	_ =	shalt  }
0x4f: {  	_ =	shalt  }
0x50: {  	_ =	shalt  }
0x51: {  	_ =	shalt  }
0x52: {  	_ =	shalt  }
0x53: {  	_ =	shalt  }
0x54: {  	_ =	shalt  }
0x55: {  	_ =	shalt  }
0x56: {  	_ =	shalt  }
0x57: {  	_ =	shalt  }
0x58: {  	_ =	shalt  }
0x59: {  	_ =	shalt  }
0x5a: {  	_ =	shalt  }
0x5b: {  	_ =	shalt  }
0x5c: {  	_ =	shalt  }
0x5d: {  	_ =	shalt  }
0x5e: {  	_ =	shalt  }
0x5f: {  	_ =	shalt  }
0x60: {  	_ =	shalt  }
0x61: {  	_ =	shalt  }
0x62: {  	_ =	shalt  }
0x63: {  	_ =	shalt  }
0x64: {  	_ =	shalt  }
0x65: {  	_ =	shalt  }
0x66: {  	_ =	shalt  }
0x67: {  	_ =	shalt  }
0x68: {  	_ =	shalt  }
0x69: {  	_ =	shalt  }
0x6a: {  	_ =	shalt  }
0x6b: {  	_ =	shalt  }
0x6c: {  	_ =	shalt  }
0x6d: {  	_ =	shalt  }
0x6e: {  	_ =	shalt  }
0x6f: {  	_ =	shalt  }
0x70: {  	_ =	shalt  }
0x71: {  	_ =	shalt  }
0x72: {  	_ =	shalt  }
0x73: {  	_ =	shalt  }
0x74: {  	_ =	shalt  }
0x75: {  	_ =	shalt  }
0x76: {  	_ =	shalt  }
0x77: {  	_ =	shalt  }
0x78: {  	_ =	shalt  }
0x79: {  	_ =	shalt  }
0x7a: {  	_ =	shalt  }
0x7b: {  	_ =	shalt  }
0x7c: {  	_ =	shalt  }
0x7d: {  	_ =	shalt  }
0x7e: {  	_ =	shalt  }
0x7f: {  	_ =	shalt  }
0x80: {  	_ =	shalt  }
0x81: {  	_ =	shalt  }
0x82: {  	_ =	shalt  }
0x83: {  	_ =	shalt  }
0x84: {  	_ =	shalt  }
0x85: {  	_ =	shalt  }
0x86: {  	_ =	shalt  }
0x87: {  	_ =	shalt  }
.Lfunc_end0:
.L_simem_size_0:
called_computation.1_lowered:
.L_overlay_start_0:
0x88: {  	s2 =	sld [smem:$0x3FD9]  }
0x89: {  	s3 =	sld [smem:$0x3FFE];
	_ =	sdelay $0x1  }
0x8a: {  	s1 =	srdreg.scid  }
0x8b: {  	s0 =	sand.u32 $0x1, s1  }
0x8c: {  	s16 =	sshll.u32 s0, $0xA;
	s2 =	sadd.s32 s3, s2  }
0x8d: {  	s2 =	sadd.s32 s2, s16  }
0x8e: {  	[smem:$0x3FC2] =	sst s2  }
0x8f: {  	_ = 	snop  }
0x90: {  	(tm) =	ssettm $0x1  }
0x91: {  	s17 =	sld [smem:$0x3FFB];
	_ =	sdelay $0x3  }
0x92: {  	_ =	strace s17  }
0x93: {  	s2 =	sld [smem:$0x3FFC];
	_ =	sdelay $0x3  }
0x94: {  	_ =	strace s2  }
0x95: {  	s2 =	sld [smem:$0x3FFD];
	_ =	sdelay $0x3  }
0x96: {  	_ =	strace s2  }
0x97: {  	_ =	strace $0x8FFFFFFF  }
0x98: {  	s18 =	sld [smem:$0x3FDB];
	_ =	sdelay $0x1  }
0x99: {  	s19 =	simm.s32 $_scs_section_size  }
0x9a: {  	s4 =	simm.s32 $_size__tile_overlayer_lowered;
	s5 =	simm.s32 $_tile_overlayer_lowered  }
0x9b: {  	s22 =	simm.s32 $0x1BFF;
	s21 =	sshll.u32 s5, $0x1;
	s2 =	sadd.s32 s19, s18  }
0x9c: {  	s6 =	simm.s32 $0x0;
	s20 =	sshll.u32 s4, $0x1;
	s4 =	sadd.s32 s21, s2  }
0x9d: {  	[timem:s6], [sflag:s22] =	dma.local [hbm:s4], s20  }
0x9e: {  	_ =	swait.ge [sflag:s22], s20  }
0x9f: {  	s3 =	ssub.s32 $0x0, s20;
	[sflag:s22] =	ssyncset.done $0x0  }
0xa0: {  	[sflag:s22] =	ssyncadd.s32 s3;
	_ =	sdelay $0x1  }
0xa1: {  	s23 =	simm.s32 $0x1B8B  }
0xa2: {  	_ =	swait.ge [sflag:s23], $0x1  }
0xa3: {  	[sflag:s23] =	ssyncset.done $0x0  }
0xa4: {  	s25 =	simm.s32 $0x1B8E;
	s24 =	sld [smem:$0x3FFE];
	[sflag:s23] =	ssyncadd.s32 $0xFFFFFFFF  }
0xa5: {  	s26 =	simm.s32 $execute0_lowered;
	[smem:$0x3FD2] =	sst s25  }
0xa6: {  	s4 =	sshll.u32 s26, $0x1;
	_ =	strace $0x80000049;
	[dreg:$0x1] =	wrdreg $0xFFFFFFFF  }
0xa7: {  	s28 =	simm.s32 $_size_execute0_lowered;
	s2 =	sadd.s32 s2, s4;
	[dreg:$0x0] =	wrdreg $0x0  }
0xa8: {  	s4 =	sshll.u32 s28, $0x1;
	[dreg:$0x2] =	wrdreg s2  }
0xa9: {  	[dreg:$0x3] =	wrdreg s4  }
0xaa: {  	[dreg:$0x4] =	wrdreg $0xC0  }
0xab: {  	_ =	task [dreg:s6], $0x5FFFF  }
0xac: {  	[dreg:$0x1] =	wrdreg $0xFFFFFFFF  }
0xad: {  	[dreg:$0x0] =	wrdreg $0x60  }
0xae: {  	[dreg:$0x2] =	wrdreg s24  }
0xaf: {  	[dreg:$0x3] =	wrdreg $0x38400  }
0xb0: {  	[dreg:$0x4] =	wrdreg $0x9  }
0xb1: {  	_ =	task.clear_ibuf [dreg:s6], $0x5FFFF;
	_ =	strace $0x90000049  }
0xb2: {  	s29 =	simm.s32 $0x9;
	_ =	strace $0x8000004B  }
0xb3: {  	_ =	swait.ge [sflag:s29], $0x1  }
0xb4: {  	[sflag:s29] =	ssyncadd.s32 $0xFFFFFFFF  }
0xb5: {  	_ =	strace $0x9000004B  }
0xb6: {  	_ =	sfence  }
0xb7: {  	s30 =	sld [smem:$0x0];
	_ =	sdelay $0x2  }
0xb8: {  	s31 =	sshll.u32 s1, $0xD;
	s1 =	sshrl.u32 s1, $0x2  }
0xb9: {  	s3 =	sand.u32 $0x4000, s31;
	s1 =	sadd.s32 s1, s30  }
0xba: {  	s0 =	sor.u32 s3, s0;
	s1 =	sshll.u32 s1, $0x11  }
0xbb: {  	s0 =	sor.u32 s1, s0  }
0xbc: {  	s0 =	sadd.s32 $0x8F2B, s0  }
0xbd: {  	[sflag:s0] =	ssyncadd.remote.s32 $0x1  }
0xbe: {  	_ =	sfence.sel $0xFFFF  }
0xbf: {  	[dreg:$0x0] =	wrdreg $0xFFFFFFFF;
	(pc) =	sbr.abs _section_cstart, $3  }
0xc0: {  	[dreg:$0x1] =	wrdreg $0xFFFFFFFF  }
0xc1: {  	_ =	task.clear_ibuf [dreg:s6], $0x2FFFF;
	_ =	strace $0x9FFFFFFF  }
0xc2: {  	(tm) =	ssettm $0x7FFFFFFF  }
0xc3: {  	_ =	shalt  }
tec
execute0_lowered:
.L_overlay_start_1:
0x0: {  	(tag) =	ssettag $0x1  }
0x1: {  	s0 =	rddreg [dreg:$0x0]  }
0x2: {  	s1 =	rddreg [dreg:$0x1];
	s3 =	simm.s32 $0x0;
	s2 =	stileid.u32  }
0x3: {  	s4 =	srdreg.scid;
	s21 =	simm.s32 $0x320;
	s28 =	simm.s32 $0x1F40  }
0x4: {  	s29 =	simm.s32 $0x3;
	s30 =	simm.s32 $0x0;
	[smem:$0x7FF] =	sst s3  }
0x5: {  	s19 =	sadd.s32 $0x2600, s0;
	s5 =	smul.u32 $0x18800, s2;
	s18 =	sadd.s32 $0x64200, s0  }
0x6: {  	s10 =	sand.u32 $0x1, s4;
	s6 =	smul.u32 $0x3100, s2;
	s4 =	sadd.s32 $0xDE600, s0  }
0x7: {  	s11 =	sshll.u32 s2, $0x1;
	s24 =	sshll.u32 s2, $0x6;
	s14 =	smul.u32 $0x30D40, s2  }
0x8: {  	_ =	strace $0x8000004A;
	s8 =	smul.u32 $0x31000, s10;
	s9 =	ssub.s32 $0x2, s10  }
0x9: {  	s11 =	sor.u32 s10, s11;
	s15 =	smul.u32 $0x186A0, s10;
	s7 =	sshrl.u32 s5, $0x3  }
0xa: {  	s22 =	sshrl.u32 s9, $0x1;
	s23 =	smul.u32 $0x186A0, s11;
	s5 =	sadd.s32 s5, s1  }
0xb: {  	s7 =	sadd.s32 s7, s0;
	s6 =	sadd.s32 s6, s8;
	s12 =	ssub.s32 s9, s22  }
0xc: {  	s17 =	sadd.s32 s15, s14;
	s22 =	simm.s32 $0x190;
	s0 =	sadd.s32 s6, s0  }
0xd: {  	s6 =	sadd.s32 $0x10F600, s7;
	s7 =	sor.u32 $0x1C04, s24;
	s13 =	sshrl.u32 s23, $0x3  }
0xe: {  	s11 =	smax.u32 s12, $0x1;
	s26 =	sadd.s32 $0x640, s17;
	s20 =	sadd.s32 $0x4B0, s17  }
0xf: {  	s23 =	simm.s32 $0x640;
	s24 =	simm.s32 $0x4B0;
	s8 =	sadd.s32 s19, s13  }
0x10: {  	s9 =	sadd.s32 s18, s13;
	s10 =	sadd.s32 $0x140600, s0;
	s25 =	sadd.s32 $0x32, s13  }
.Ltmp0:
0x11: {  	s16 =	sadd.s32 $0x64, s13;
	s0 =	sshrl.u32 s26, $0x3;
	(pc) =	sbr.rel .LBB2_1-.Ltmp0, $4  }
0x12: {  	s31 =	sshrl.u32 s20, $0x3;
	s20 =	simm.s32 $0x4;
	s26 =	simm.s32 $0x1  }
0x13: {  	s12 =	sadd.s32 s19, s25;
	s13 =	sadd.s32 s18, s25;
	s14 =	sadd.s32 s19, s16  }
0x14: {  	s15 =	sadd.s32 s18, s16;
	s16 =	sadd.s32 s0, s18;
	s17 =	sadd.s32 s0, s19  }
0x15: {  	s18 =	sadd.s32 s31, s18;
	s19 =	sadd.s32 s31, s19;
	s25 =	simm.s32 $0x2  }
.LBB2_4:
0x16: {  	_ =	swait.ge [sflag:s25], $0x1900  }
0x17: {  	[sflag:s25] =	ssyncset.done $0x0  }
0x18: {  	[sflag:s25] =	ssyncadd.s32 $0xFFFFE700  }
0x19: {  	[spmem:s1] =	stream.indirect.scatter.add.f32 [tilespmem:s28], [sflag:$0x3], $0x10, s24, s22, $0xb8;
	[tilespmem:$0x1C040] =	vst v63  }
0x1a: {  	_ =	swait.ge [sflag:s29], $0x1900  }
0x1b: {  	s30 =	sadd.s32 $0x1, s30;
	[sflag:s29] =	ssyncset.done $0x0  }
0x1c: {  	p0 =	sne.s32 s30, s11;
	[sflag:s29] =	ssyncadd.s32 $0xFFFFE700  }
.Ltmp1:
0x1d: {  	[bflag:$0x0] =	sbarrier.arrive $0xFFFF;
	(pc) =	sbr.rel @!p0 .LBB2_5-.Ltmp1, $4  }
0x1e: {  	[hbm:s10], [sflag:s7] =	dma.local [spmem:s31], $0x3100  }
0x1f: {  	_ =	swait.ge [sflag:s20], $0x3100  }
0x20: {  	[sflag:s20] =	ssyncset.done $0x0  }
0x21: {  	[sflag:s20] =	ssyncadd.s32 $0xFFFFCF00  }
.LBB2_1:
0x22: {  	s31 =	sshrl.u32 s5, $0x3  }
0x23: {  	[spmem:s31], [sflag:s7] =	dma.local [hbm:s6], $0x3100  }
0x24: {  	_ =	swait.ge [sflag:s20], $0x3100  }
0x25: {  	[sflag:s20] =	ssyncset.done $0x0  }
0x26: {  	[sflag:s20] =	ssyncadd.s32 $0xFFFFCF00  }
0x27: {  	[bflag:$0x0] =	sbarrier.arrive $0xFFFF  }
0x28: {  	[tilespmem:s3], [sflag:$0x4] =	stream.linear.gather [hbm4b:s8+s3], $0x190, $0x38;
	[tilespmem:$0x1C040] =	vst v63  }
0x29: {  	_ =	swait.ge [sflag:s20], $0x190  }
0x2a: {  	[sflag:s20] =	ssyncset.done $0x0  }
0x2b: {  	[sflag:s20] =	ssyncadd.s32 $0xFFFFFE70  }
0x2c: {  	[tilespmem:s21], [sflag:$0x4] =	stream.linear.gather [hbm4b:s9+s3], $0x190, $0x38;
	[tilespmem:$0x1C040] =	vst v63  }
0x2d: {  	_ =	swait.ge [sflag:s20], $0x190  }
0x2e: {  	[sflag:s20] =	ssyncset.done $0x0  }
0x2f: {  	[sflag:s20] =	ssyncadd.s32 $0xFFFFFE70  }
0x30: {  	[tilespmem:s23], [sflag:$0x2] =	stream.indirect.gather [hbm4b:s4+s22], $0x10, s3, s22, $0xb8;
	[tilespmem:$0x1C040] =	vst v63  }
0x31: {  	_ = 	snop  }
0x32: {  	[tilespmem:s22], [sflag:$0x1] =	stream.linear.gather [hbm4b:s12+s3], $0x190, $0x38;
	[tilespmem:$0x1C040] =	vst v63  }
0x33: {  	_ = 	snop  }
0x34: {  	[tilespmem:s24], [sflag:$0x1] =	stream.linear.gather [hbm4b:s13+s3], $0x190, $0x38;
	[tilespmem:$0x1C040] =	vst v63  }
0x35: {  	_ =	swait.ge [sflag:s25], $0x1900  }
0x36: {  	[sflag:s25] =	ssyncset.done $0x0  }
0x37: {  	[sflag:s25] =	ssyncadd.s32 $0xFFFFE700  }
0x38: {  	[spmem:s1] =	stream.indirect.scatter.add.f32 [tilespmem:s23], [sflag:$0x3], $0x10, s21, s22, $0xb8;
	[tilespmem:$0x1C040] =	vst v63  }
0x39: {  	_ =	swait.ge [sflag:s26], $0x190  }
0x3a: {  	[sflag:s26] =	ssyncset.done $0x0  }
0x3b: {  	[sflag:s26] =	ssyncadd.s32 $0xFFFFFE70  }
0x3c: {  	_ =	swait.ge [sflag:s26], $0x190  }
0x3d: {  	[sflag:s26] =	ssyncset.done $0x0  }
0x3e: {  	[sflag:s26] =	ssyncadd.s32 $0xFFFFFE70  }
0x3f: {  	[tilespmem:s28], [sflag:$0x2] =	stream.indirect.gather [hbm4b:s4+s22], $0x10, s22, s22, $0xb8;
	[tilespmem:$0x1C040] =	vst v63  }
0x40: {  	_ =	swait.ge [sflag:s29], $0x1900  }
0x41: {  	[sflag:s29] =	ssyncset.done $0x0  }
0x42: {  	[sflag:s29] =	ssyncadd.s32 $0xFFFFE700  }
0x43: {  	[tilespmem:s3], [sflag:$0x1] =	stream.linear.gather [hbm4b:s14+s3], $0x190, $0x38;
	[tilespmem:$0x1C040] =	vst v63  }
0x44: {  	_ = 	snop  }
0x45: {  	[tilespmem:s21], [sflag:$0x1] =	stream.linear.gather [hbm4b:s15+s3], $0x190, $0x38;
	[tilespmem:$0x1C040] =	vst v63  }
0x46: {  	_ =	swait.ge [sflag:s25], $0x1900  }
0x47: {  	[sflag:s25] =	ssyncset.done $0x0  }
0x48: {  	[sflag:s25] =	ssyncadd.s32 $0xFFFFE700  }
0x49: {  	[spmem:s1] =	stream.indirect.scatter.add.f32 [tilespmem:s28], [sflag:$0x3], $0x10, s24, s22, $0xb8;
	[tilespmem:$0x1C040] =	vst v63  }
0x4a: {  	_ =	swait.ge [sflag:s26], $0x190  }
0x4b: {  	[sflag:s26] =	ssyncset.done $0x0  }
0x4c: {  	[sflag:s26] =	ssyncadd.s32 $0xFFFFFE70  }
0x4d: {  	_ =	swait.ge [sflag:s26], $0x190  }
0x4e: {  	[sflag:s26] =	ssyncset.done $0x0  }
0x4f: {  	s0 =	simm.s32 $0x0;
	[sflag:s26] =	ssyncadd.s32 $0xFFFFFE70  }
0x50: {  	[tilespmem:s23], [sflag:$0x2] =	stream.indirect.gather [hbm4b:s4+s22], $0x10, s3, s22, $0xb8;
	[tilespmem:$0x1C040] =	vst v63  }
.LBB2_2:
0x51: {  	_ =	swait.ge [sflag:s29], $0x1900  }
0x52: {  	[sflag:s29] =	ssyncset.done $0x0  }
0x53: {  	s2 =	sadd.s32 s0, s19;
	[sflag:s29] =	ssyncadd.s32 $0xFFFFE700  }
0x54: {  	[tilespmem:s22], [sflag:$0x1] =	stream.linear.gather [hbm4b:s2+s3], $0x190, $0x38;
	[tilespmem:$0x1C040] =	vst v63  }
0x55: {  	s2 =	sadd.s32 s0, s18  }
0x56: {  	[tilespmem:s24], [sflag:$0x1] =	stream.linear.gather [hbm4b:s2+s3], $0x190, $0x38;
	[tilespmem:$0x1C040] =	vst v63  }
0x57: {  	_ =	swait.ge [sflag:s25], $0x1900  }
0x58: {  	[sflag:s25] =	ssyncset.done $0x0  }
0x59: {  	[sflag:s25] =	ssyncadd.s32 $0xFFFFE700  }
0x5a: {  	[spmem:s1] =	stream.indirect.scatter.add.f32 [tilespmem:s23], [sflag:$0x3], $0x10, s21, s22, $0xb8;
	[tilespmem:$0x1C040] =	vst v63  }
0x5b: {  	_ =	swait.ge [sflag:s26], $0x190  }
0x5c: {  	[sflag:s26] =	ssyncset.done $0x0  }
0x5d: {  	[sflag:s26] =	ssyncadd.s32 $0xFFFFFE70  }
0x5e: {  	_ =	swait.ge [sflag:s26], $0x190  }
0x5f: {  	p0 =	seq.s32 s0, $0x300C;
	[sflag:s26] =	ssyncset.done $0x0  }
.Ltmp2:
0x60: {  	[sflag:s26] =	ssyncadd.s32 $0xFFFFFE70;
	(pc) =	sbr.rel @p0 .LBB2_4-.Ltmp2, $4  }
0x61: {  	[tilespmem:s28], [sflag:$0x2] =	stream.indirect.gather [hbm4b:s4+s22], $0x10, s22, s22, $0xb8;
	[tilespmem:$0x1C040] =	vst v63  }
0x62: {  	_ =	swait.ge [sflag:s29], $0x1900  }
0x63: {  	[sflag:s29] =	ssyncset.done $0x0  }
0x64: {  	[sflag:s29] =	ssyncadd.s32 $0xFFFFE700  }
0x65: {  	s2 =	sadd.s32 s0, s17  }
0x66: {  	[tilespmem:s3], [sflag:$0x1] =	stream.linear.gather [hbm4b:s2+s3], $0x190, $0x38;
	[tilespmem:$0x1C040] =	vst v63  }
0x67: {  	s2 =	sadd.s32 s0, s16  }
0x68: {  	[tilespmem:s21], [sflag:$0x1] =	stream.linear.gather [hbm4b:s2+s3], $0x190, $0x38;
	[tilespmem:$0x1C040] =	vst v63  }
0x69: {  	_ =	swait.ge [sflag:s25], $0x1900  }
0x6a: {  	[sflag:s25] =	ssyncset.done $0x0  }
0x6b: {  	[sflag:s25] =	ssyncadd.s32 $0xFFFFE700  }
0x6c: {  	[spmem:s1] =	stream.indirect.scatter.add.f32 [tilespmem:s28], [sflag:$0x3], $0x10, s24, s22, $0xb8;
	[tilespmem:$0x1C040] =	vst v63  }
0x6d: {  	_ =	swait.ge [sflag:s26], $0x190  }
0x6e: {  	[sflag:s26] =	ssyncset.done $0x0  }
.Ltmp3:
0x6f: {  	[sflag:s26] =	ssyncadd.s32 $0xFFFFFE70;
	(pc) =	sbr.rel .LBB2_2-.Ltmp3, $4  }
0x70: {  	_ =	swait.ge [sflag:s26], $0x190  }
0x71: {  	[sflag:s26] =	ssyncset.done $0x0  }
0x72: {  	s0 =	sadd.s32 $0x64, s0;
	[sflag:s26] =	ssyncadd.s32 $0xFFFFFE70  }
0x73: {  	[tilespmem:s23], [sflag:$0x2] =	stream.indirect.gather [hbm4b:s4+s22], $0x10, s3, s22, $0xb8;
	[tilespmem:$0x1C040] =	vst v63  }
.LBB2_5:
0x74: {  	_ =	sfence.sel $0x180000  }
0x75: {  	[bflag:$0x0] =	sbarrier.arrive $0xFFFF  }
0x76: {  	_ =	strace $0x9000004A  }
0x77: {  	s0 =	stileid.u32;
	[bflag:$0x2] =	sbarrier.arrive $0xFFFF  }
0x78: {  	p0 =	sne.s32 s0, $0x0;
	s0 =	rddreg [dreg:$0x2]  }
0x79: {  	s0 =	sadd.s32 @!p0 $0x100000, s0  }
0x7a: {  	[sflag:s0] =	ssyncadd.tile.s32 @!p0 $0x1;
	_ =	shalt  }
.Lfunc_end2:
_tile_overlayer_lowered:
.L_overlay_start_2:
0x7b: {  	(tag) =	ssettag $0x2  }
0x7c: {  	s0 =	rddreg [dreg:$0x0];
	s2 =	stileid.u32  }
0x7d: {  	s1 =	rddreg [dreg:$0x1];
	p0 =	sne.s32 s2, $0x0  }
0x7e: {  	s3 =	rddreg [dreg:$0x2];
	[bflag:$0x3] =	sbarrier.arrive $0xFFFF;
	s2 =	simm.s32 @!p0 $0x1C04  }
0x7f: {  	[timem:s3], [sflag:s2] =	dma.local @!p0 [hbm:s0], s1  }
0x80: {  	s0 =	simm.s32 @!p0 $0x4  }
0x81: {  	_ =	swait.ge @!p0 [sflag:s0], s1  }
0x82: {  	s1 =	ssub.s32 @!p0 $0x0, s1;
	[sflag:s0] =	ssyncset.done @!p0 $0x0  }
0x83: {  	[sflag:s0] =	ssyncadd.s32 @!p0 s1  }
0x84: {  	[bflag:$0x3] =	sbarrier.arrive $0xFFFF  }
0x85: {  	_ =	shalt  }

// kernel: kernel.14.cloned.1.call-start
scs
__scs_entry_jumppad:
0x0: {  	(pc) =	sbr.rel $0x88, $3  }
0x1: {  	(tag) =	ssettag $0x0;
	lr =	simm.s32 $0x1  }
0x2: {  	[smem:$0x3F9B] =	sst lr;
	_ =	strace $0xD0000000  }
0x3: {  	_ = 	snop  }
0x4: {  	_ = 	snop  }
0x5: {  	_ = 	snop  }
0x6: {  	_ = 	snop  }
0x7: {  	_ = 	snop  }
__scs_overlays_trampoline_lowered:
0x8: {  	[smem:$0x3FAA] =	sst s0  }
0x9: {  	[smem:$0x3FAB] =	sst s1  }
0xa: {  	[smem:$0x3FAC] =	sst s2  }
0xb: {  	[smem:$0x3FAD] =	sst s3  }
0xc: {  	[smem:$0x3FAE] =	sst s4  }
0xd: {  	[smem:$0x3FAF] =	sst s5  }
0xe: {  	[smem:$0x3FB0] =	sst s6  }
0xf: {  	[smem:$0x3FB1] =	sst s7  }
0x10: {  	[smem:$0x3FB2] =	sst s8  }
0x11: {  	[smem:$0x3FB3] =	sst s9;
	s0 =	simm.s32 @!p0 $0x0  }
0x12: {  	s1 =	sld [smem:$0x3F99];
	s0 =	simm.s32 @p0 $0x1  }
0x13: {  	[smem:$0x3FB4] =	sst s0;
	s0 =	simm.s32 @!p1 $0x0  }
0x14: {  	s2 =	sld [smem:$0x3F98];
	s0 =	simm.s32 @p1 $0x1  }
0x15: {  	[smem:$0x3FB5] =	sst s0;
	s0 =	simm.s32 @!p2 $0x0  }
0x16: {  	s3 =	sld [smem:$0x3FDB];
	s0 =	simm.s32 @p2 $0x1  }
0x17: {  	s4 =	simm.s32 $0x1BF5;
	[smem:$0x3FB7] =	sst s0  }
0x18: {  	s0 =	sld [smem:$0x3F9A];
	_ =	swait.ge [sflag:s4], $0x0  }
0x19: {  	s7 =	sld [smem:$0x3F9B]  }
0x1a: {  	s8 =	sadd.s32 $0xFFFFE003, lr  }
0x1b: {  	s9 =	sadd.s32 $0xFFFFFEF7, lr;
	s5 =	simm.s32 $0xFFFFFFFF;
	p2 =	slt.u32 s8, $0xFFFFF086  }
0x1c: {  	p1 =	slt.u32 s9, $0xF7A;
	s5 =	simm.s32 @!p2 $0x0  }
0x1d: {  	s5 =	simm.s32 @p1 $0x1;
	p0 =	seq.s32 s7, s2  }
0x1e: {  	s7 =	smul.u32 @!p0 $0xF7A, s2;
	p2 =	seq.s32 @!p0 s5, $0x0  }
0x1f: {  	s9 =	smul.u32 $0xF7A, s1;
	s8 =	simm.s32 @!p0 $0x1BF5;
	p2 =	por !p2, p0  }
0x20: {  	[sflag:s8] =	ssyncset.s32 @!p0 $0xFFFFF086;
	s6 =	sadd.s32 @!p0 s3, s7;
	s7 =	simm.s32 @!p0 $0x108  }
0x21: {  	s3 =	sadd.s32 s3, s9;
	s6 =	sadd.s32 @!p0 $0x88, s6;
	s7 =	simm.s32 @p2 $0x1082  }
0x22: {  	[simem:s7], [sflag:s8] =	dma.local @!p0 [hbm:s6], $0xF7A  }
0x23: {  	s9 =	sor.u32 $0xD0000000, s2;
	s6 =	simm.s32 $0x108;
	_ =	swait.ge @!p0 [sflag:s8], $0x0  }
0x24: {  	s3 =	sadd.s32 $0x88, s3;
	s6 =	simm.s32 @!p1 $0x1082;
	[sflag:s4] =	ssyncset.s32 $0xFFFFF086  }
0x25: {  	[simem:s6], [sflag:s4] =	dma.local [hbm:s3], $0xF7A  }
0x26: {  	[smem:$0x3F9B] =	sst s1;
	(tag) =	ssettag s2;
	_ =	strace s9  }
0x27: {  	s1 =	sld [smem:$0x3FAB]  }
0x28: {  	s2 =	sld [smem:$0x3FAC]  }
0x29: {  	s4 =	sld [smem:$0x3FAE]  }
0x2a: {  	p0 =	seq.s32 s5, $0x0;
	s5 =	sld [smem:$0x3FAF]  }
0x2b: {  	s6 =	sld [smem:$0x3FB0]  }
0x2c: {  	s7 =	sld [smem:$0x3FB1]  }
0x2d: {  	s3 =	simm.s32 $0x108;
	s8 =	sld [smem:$0x3FB2]  }
0x2e: {  	s3 =	simm.s32 @!p0 $0x1082;
	s9 =	sld [smem:$0x3FB3]  }
0x2f: {  	lr =	sadd.s32 s0, s3;
	s0 =	sld [smem:$0x3FAA]  }
0x30: {  	s3 =	sld [smem:$0x3FAD]  }
0x31: {  	[smem:$0x3FB6] =	sst s10  }
0x32: {  	s10 =	sld [smem:$0x3FB4];
	_ =	sdelay $0x3  }
0x33: {  	p0 =	seq.s32 s10, $0x1;
	s10 =	sld [smem:$0x3FB6];
	_ =	sdelay $0x3  }
0x34: {  	[smem:$0x3FB6] =	sst s10  }
0x35: {  	s10 =	sld [smem:$0x3FB5];
	_ =	sdelay $0x3  }
0x36: {  	p1 =	seq.s32 s10, $0x1;
	s10 =	sld [smem:$0x3FB6];
	_ =	sdelay $0x3  }
0x37: {  	[smem:$0x3FB6] =	sst s10  }
0x38: {  	s10 =	sld [smem:$0x3FB7]  }
0x39: {  	_ = 	snop;
	(pc) =	sbr.ind lr, $3  }
0x3a: {  	_ = 	snop  }
0x3b: {  	_ = 	snop  }
0x3c: {  	p2 =	seq.s32 s10, $0x1;
	s10 =	sld [smem:$0x3FB6]  }
0x3d: {  	_ =	shalt  }
0x3e: {  	_ =	shalt  }
0x3f: {  	_ =	shalt  }
0x40: {  	_ =	shalt  }
0x41: {  	_ =	shalt  }
0x42: {  	_ =	shalt  }
0x43: {  	_ =	shalt  }
0x44: {  	_ =	shalt  }
0x45: {  	_ =	shalt  }
0x46: {  	_ =	shalt  }
0x47: {  	_ =	shalt  }
0x48: {  	_ =	shalt  }
0x49: {  	_ =	shalt  }
0x4a: {  	_ =	shalt  }
0x4b: {  	_ =	shalt  }
0x4c: {  	_ =	shalt  }
0x4d: {  	_ =	shalt  }
0x4e: {  	_ =	shalt  }
0x4f: {  	_ =	shalt  }
0x50: {  	_ =	shalt  }
0x51: {  	_ =	shalt  }
0x52: {  	_ =	shalt  }
0x53: {  	_ =	shalt  }
0x54: {  	_ =	shalt  }
0x55: {  	_ =	shalt  }
0x56: {  	_ =	shalt  }
0x57: {  	_ =	shalt  }
0x58: {  	_ =	shalt  }
0x59: {  	_ =	shalt  }
0x5a: {  	_ =	shalt  }
0x5b: {  	_ =	shalt  }
0x5c: {  	_ =	shalt  }
0x5d: {  	_ =	shalt  }
0x5e: {  	_ =	shalt  }
0x5f: {  	_ =	shalt  }
0x60: {  	_ =	shalt  }
0x61: {  	_ =	shalt  }
0x62: {  	_ =	shalt  }
0x63: {  	_ =	shalt  }
0x64: {  	_ =	shalt  }
0x65: {  	_ =	shalt  }
0x66: {  	_ =	shalt  }
0x67: {  	_ =	shalt  }
0x68: {  	_ =	shalt  }
0x69: {  	_ =	shalt  }
0x6a: {  	_ =	shalt  }
0x6b: {  	_ =	shalt  }
0x6c: {  	_ =	shalt  }
0x6d: {  	_ =	shalt  }
0x6e: {  	_ =	shalt  }
0x6f: {  	_ =	shalt  }
0x70: {  	_ =	shalt  }
0x71: {  	_ =	shalt  }
0x72: {  	_ =	shalt  }
0x73: {  	_ =	shalt  }
0x74: {  	_ =	shalt  }
0x75: {  	_ =	shalt  }
0x76: {  	_ =	shalt  }
0x77: {  	_ =	shalt  }
0x78: {  	_ =	shalt  }
0x79: {  	_ =	shalt  }
0x7a: {  	_ =	shalt  }
0x7b: {  	_ =	shalt  }
0x7c: {  	_ =	shalt  }
0x7d: {  	_ =	shalt  }
0x7e: {  	_ =	shalt  }
0x7f: {  	_ =	shalt  }
0x80: {  	_ =	shalt  }
0x81: {  	_ =	shalt  }
0x82: {  	_ =	shalt  }
0x83: {  	_ =	shalt  }
0x84: {  	_ =	shalt  }
0x85: {  	_ =	shalt  }
0x86: {  	_ =	shalt  }
0x87: {  	_ =	shalt  }
.Lfunc_end0:
.L_simem_size_0:
called_computation.2_lowered:
.L_overlay_start_0:
0x88: {  	s2 =	sld [smem:$0x3FD9]  }
0x89: {  	s3 =	sld [smem:$0x3FFE];
	_ =	sdelay $0x1  }
0x8a: {  	s1 =	srdreg.scid  }
0x8b: {  	s0 =	sand.u32 $0x1, s1  }
0x8c: {  	s16 =	sshll.u32 s0, $0xA;
	s2 =	sadd.s32 s3, s2  }
0x8d: {  	s2 =	sadd.s32 s2, s16  }
0x8e: {  	[smem:$0x3FC2] =	sst s2  }
0x8f: {  	_ = 	snop  }
0x90: {  	(tm) =	ssettm $0x1  }
0x91: {  	s17 =	sld [smem:$0x3FFB];
	_ =	sdelay $0x3  }
0x92: {  	_ =	strace s17  }
0x93: {  	s2 =	sld [smem:$0x3FFC];
	_ =	sdelay $0x3  }
0x94: {  	_ =	strace s2  }
0x95: {  	s2 =	sld [smem:$0x3FFD];
	_ =	sdelay $0x3  }
0x96: {  	_ =	strace s2  }
0x97: {  	_ =	strace $0x8FFFFFFF  }
0x98: {  	s18 =	sld [smem:$0x3FDB];
	_ =	sdelay $0x1  }
0x99: {  	s19 =	simm.s32 $_scs_section_size  }
0x9a: {  	s4 =	simm.s32 $_size__tile_overlayer_lowered;
	s5 =	simm.s32 $_tile_overlayer_lowered  }
0x9b: {  	s22 =	simm.s32 $0x1BFF;
	s21 =	sshll.u32 s5, $0x1;
	s2 =	sadd.s32 s19, s18  }
0x9c: {  	s6 =	simm.s32 $0x0;
	s20 =	sshll.u32 s4, $0x1;
	s4 =	sadd.s32 s21, s2  }
0x9d: {  	[timem:s6], [sflag:s22] =	dma.local [hbm:s4], s20  }
0x9e: {  	_ =	swait.ge [sflag:s22], s20  }
0x9f: {  	s3 =	ssub.s32 $0x0, s20;
	[sflag:s22] =	ssyncset.done $0x0  }
0xa0: {  	[sflag:s22] =	ssyncadd.s32 s3;
	_ =	sdelay $0x1  }
0xa1: {  	s23 =	simm.s32 $0x1B8B  }
0xa2: {  	_ =	swait.ge [sflag:s23], $0x1  }
0xa3: {  	[sflag:s23] =	ssyncset.done $0x0  }
0xa4: {  	s25 =	simm.s32 $0x1B8E;
	s24 =	sld [smem:$0x3FFE];
	[sflag:s23] =	ssyncadd.s32 $0xFFFFFFFF  }
0xa5: {  	s26 =	simm.s32 $execute0_lowered;
	[smem:$0x3FD2] =	sst s25  }
0xa6: {  	s4 =	sshll.u32 s26, $0x1;
	_ =	strace $0x8000004C;
	[dreg:$0x1] =	wrdreg $0xFFFFFFFF  }
0xa7: {  	s28 =	simm.s32 $_size_execute0_lowered;
	s2 =	sadd.s32 s2, s4;
	[dreg:$0x0] =	wrdreg $0x0  }
0xa8: {  	s4 =	sshll.u32 s28, $0x1;
	[dreg:$0x2] =	wrdreg s2  }
0xa9: {  	[dreg:$0x3] =	wrdreg s4  }
0xaa: {  	[dreg:$0x4] =	wrdreg $0xC0  }
0xab: {  	_ =	task [dreg:s6], $0x5FFFF  }
0xac: {  	[dreg:$0x1] =	wrdreg $0xFFFFFFFF  }
0xad: {  	[dreg:$0x0] =	wrdreg $0x60  }
0xae: {  	[dreg:$0x2] =	wrdreg s24  }
0xaf: {  	[dreg:$0x3] =	wrdreg $0x9C400  }
0xb0: {  	[dreg:$0x4] =	wrdreg $0x9  }
0xb1: {  	_ =	task.clear_ibuf [dreg:s6], $0x5FFFF;
	_ =	strace $0x9000004C  }
0xb2: {  	s29 =	simm.s32 $0x9;
	_ =	strace $0x8000004E  }
0xb3: {  	_ =	swait.ge [sflag:s29], $0x1  }
0xb4: {  	[sflag:s29] =	ssyncadd.s32 $0xFFFFFFFF  }
0xb5: {  	_ =	strace $0x9000004E  }
0xb6: {  	_ =	sfence  }
0xb7: {  	s30 =	sld [smem:$0x0];
	_ =	sdelay $0x2  }
0xb8: {  	s31 =	sshll.u32 s1, $0xD;
	s1 =	sshrl.u32 s1, $0x2  }
0xb9: {  	s3 =	sand.u32 $0x4000, s31;
	s1 =	sadd.s32 s1, s30  }
0xba: {  	s0 =	sor.u32 s3, s0;
	s1 =	sshll.u32 s1, $0x11  }
0xbb: {  	s0 =	sor.u32 s1, s0  }
0xbc: {  	s0 =	sadd.s32 $0x8F2B, s0  }
0xbd: {  	[sflag:s0] =	ssyncadd.remote.s32 $0x1  }
0xbe: {  	_ =	sfence.sel $0xFFFF  }
0xbf: {  	[dreg:$0x0] =	wrdreg $0xFFFFFFFF;
	(pc) =	sbr.abs _section_cstart, $3  }
0xc0: {  	[dreg:$0x1] =	wrdreg $0xFFFFFFFF  }
0xc1: {  	_ =	task.clear_ibuf [dreg:s6], $0x2FFFF;
	_ =	strace $0x9FFFFFFF  }
0xc2: {  	(tm) =	ssettm $0x7FFFFFFF  }
0xc3: {  	_ =	shalt  }
tec
execute0_lowered:
.L_overlay_start_1:
0x0: {  	(tag) =	ssettag $0x1  }
0x1: {  	s0 =	rddreg [dreg:$0x0]  }
0x2: {  	s2 =	rddreg [dreg:$0x1];
	s3 =	simm.s32 $0x0;
	s1 =	stileid.u32  }
0x3: {  	s7 =	srdreg.scid;
	s21 =	simm.s32 $0xFA0;
	s28 =	simm.s32 $0x5DC0  }
0x4: {  	s29 =	simm.s32 $0x3;
	s30 =	simm.s32 $0x0;
	[smem:$0x7FF] =	sst s3  }
0x5: {  	s5 =	smul.u32 $0xC400, s1;
	s19 =	sadd.s32 $0x2600, s0;
	s18 =	sadd.s32 $0x64200, s0  }
0x6: {  	s4 =	sadd.s32 $0xDE600, s0;
	s8 =	smul.u32 $0x1880, s1;
	s10 =	sand.u32 $0x1, s7  }
0x7: {  	s22 =	sshll.u32 s1, $0x1;
	s24 =	sshll.u32 s1, $0x6;
	s14 =	smul.u32 $0x30D40, s1  }
0x8: {  	_ =	strace $0x8000004D;
	s9 =	ssub.s32 $0x2, s10;
	s12 =	smul.u32 $0x18800, s10  }
0x9: {  	s7 =	sor.u32 s10, s22;
	s15 =	smul.u32 $0x186A0, s10;
	s22 =	simm.s32 $0x7D0  }
0xa: {  	s6 =	sshrl.u32 s5, $0x3;
	s23 =	sshrl.u32 s9, $0x1;
	s7 =	smul.u32 $0x186A0, s7  }
0xb: {  	s5 =	sadd.s32 s5, s2;
	s6 =	sadd.s32 s6, s0;
	s0 =	sadd.s32 s8, s0  }
0xc: {  	s11 =	ssub.s32 s9, s23;
	s17 =	sadd.s32 s15, s14;
	s23 =	simm.s32 $0x1F40  }
0xd: {  	s6 =	sadd.s32 $0xC5E00, s6;
	s13 =	sshrl.u32 s7, $0x3;
	s7 =	sor.u32 $0x1C04, s24  }
0xe: {  	s0 =	sadd.s32 s12, s0;
	s11 =	smax.u32 s11, $0x1;
	s26 =	sadd.s32 $0x1F40, s17  }
0xf: {  	s20 =	sadd.s32 $0x1770, s17;
	s24 =	simm.s32 $0x1770;
	s8 =	sadd.s32 s19, s13  }
0x10: {  	s9 =	sadd.s32 s18, s13;
	s10 =	sadd.s32 $0xF6E00, s0;
	s25 =	sadd.s32 $0xFA, s13  }
.Ltmp0:
0x11: {  	s16 =	sadd.s32 $0x1F4, s13;
	s0 =	sshrl.u32 s26, $0x3;
	(pc) =	sbr.rel .LBB2_1-.Ltmp0, $4  }
0x12: {  	s31 =	sshrl.u32 s20, $0x3;
	s20 =	simm.s32 $0x4;
	s26 =	simm.s32 $0x1  }
0x13: {  	s12 =	sadd.s32 s19, s25;
	s13 =	sadd.s32 s18, s25;
	s14 =	sadd.s32 s19, s16  }
0x14: {  	s15 =	sadd.s32 s18, s16;
	s16 =	sadd.s32 s0, s18;
	s17 =	sadd.s32 s0, s19  }
0x15: {  	s18 =	sadd.s32 s31, s18;
	s19 =	sadd.s32 s31, s19;
	s25 =	simm.s32 $0x2  }
.LBB2_4:
0x16: {  	_ =	swait.ge [sflag:s25], $0x3E80  }
0x17: {  	[sflag:s25] =	ssyncset.done $0x0  }
0x18: {  	[sflag:s25] =	ssyncadd.s32 $0xFFFFC180  }
0x19: {  	[spmem:s2] =	stream.indirect.scatter.add.f32 [tilespmem:s28], [sflag:$0x3], $0x8, s24, s22, $0xb8;
	[tilespmem:$0x16040] =	vst v63  }
0x1a: {  	_ =	swait.ge [sflag:s29], $0x3E80  }
0x1b: {  	s30 =	sadd.s32 $0x1, s30;
	[sflag:s29] =	ssyncset.done $0x0  }
0x1c: {  	p0 =	sne.s32 s30, s11;
	[sflag:s29] =	ssyncadd.s32 $0xFFFFC180  }
.Ltmp1:
0x1d: {  	[bflag:$0x0] =	sbarrier.arrive $0xFFFF;
	(pc) =	sbr.rel @!p0 .LBB2_5-.Ltmp1, $4  }
0x1e: {  	[hbm:s10], [sflag:s7] =	dma.local [spmem:s31], $0x1880  }
0x1f: {  	_ =	swait.ge [sflag:s20], $0x1880  }
0x20: {  	[sflag:s20] =	ssyncset.done $0x0  }
0x21: {  	[sflag:s20] =	ssyncadd.s32 $0xFFFFE780  }
.LBB2_1:
0x22: {  	s31 =	sshrl.u32 s5, $0x3  }
0x23: {  	[spmem:s31], [sflag:s7] =	dma.local [hbm:s6], $0x1880  }
0x24: {  	_ =	swait.ge [sflag:s20], $0x1880  }
0x25: {  	[sflag:s20] =	ssyncset.done $0x0  }
0x26: {  	[sflag:s20] =	ssyncadd.s32 $0xFFFFE780  }
0x27: {  	[bflag:$0x0] =	sbarrier.arrive $0xFFFF  }
0x28: {  	[tilespmem:s3], [sflag:$0x4] =	stream.linear.gather [hbm4b:s8+s3], $0x7D0, $0x38;
	[tilespmem:$0x16040] =	vst v63  }
0x29: {  	_ =	swait.ge [sflag:s20], $0x7D0  }
0x2a: {  	[sflag:s20] =	ssyncset.done $0x0  }
0x2b: {  	[sflag:s20] =	ssyncadd.s32 $0xFFFFF830  }
0x2c: {  	[tilespmem:s21], [sflag:$0x4] =	stream.linear.gather [hbm4b:s9+s3], $0x7D0, $0x38;
	[tilespmem:$0x16040] =	vst v63  }
0x2d: {  	_ =	swait.ge [sflag:s20], $0x7D0  }
0x2e: {  	[sflag:s20] =	ssyncset.done $0x0  }
0x2f: {  	[sflag:s20] =	ssyncadd.s32 $0xFFFFF830  }
0x30: {  	[tilespmem:s23], [sflag:$0x2] =	stream.indirect.gather [hbm4b:s4+s22], $0x8, s3, s22, $0xb8;
	[tilespmem:$0x16040] =	vst v63  }
0x31: {  	_ = 	snop  }
0x32: {  	[tilespmem:s22], [sflag:$0x1] =	stream.linear.gather [hbm4b:s12+s3], $0x7D0, $0x38;
	[tilespmem:$0x16040] =	vst v63  }
0x33: {  	_ = 	snop  }
0x34: {  	[tilespmem:s24], [sflag:$0x1] =	stream.linear.gather [hbm4b:s13+s3], $0x7D0, $0x38;
	[tilespmem:$0x16040] =	vst v63  }
0x35: {  	_ =	swait.ge [sflag:s25], $0x3E80  }
0x36: {  	[sflag:s25] =	ssyncset.done $0x0  }
0x37: {  	[sflag:s25] =	ssyncadd.s32 $0xFFFFC180  }
0x38: {  	[spmem:s2] =	stream.indirect.scatter.add.f32 [tilespmem:s23], [sflag:$0x3], $0x8, s21, s22, $0xb8;
	[tilespmem:$0x16040] =	vst v63  }
0x39: {  	_ =	swait.ge [sflag:s26], $0x7D0  }
0x3a: {  	[sflag:s26] =	ssyncset.done $0x0  }
0x3b: {  	[sflag:s26] =	ssyncadd.s32 $0xFFFFF830  }
0x3c: {  	_ =	swait.ge [sflag:s26], $0x7D0  }
0x3d: {  	[sflag:s26] =	ssyncset.done $0x0  }
0x3e: {  	[sflag:s26] =	ssyncadd.s32 $0xFFFFF830  }
0x3f: {  	[tilespmem:s28], [sflag:$0x2] =	stream.indirect.gather [hbm4b:s4+s22], $0x8, s22, s22, $0xb8;
	[tilespmem:$0x16040] =	vst v63  }
0x40: {  	_ =	swait.ge [sflag:s29], $0x3E80  }
0x41: {  	[sflag:s29] =	ssyncset.done $0x0  }
0x42: {  	[sflag:s29] =	ssyncadd.s32 $0xFFFFC180  }
0x43: {  	[tilespmem:s3], [sflag:$0x1] =	stream.linear.gather [hbm4b:s14+s3], $0x7D0, $0x38;
	[tilespmem:$0x16040] =	vst v63  }
0x44: {  	_ = 	snop  }
0x45: {  	[tilespmem:s21], [sflag:$0x1] =	stream.linear.gather [hbm4b:s15+s3], $0x7D0, $0x38;
	[tilespmem:$0x16040] =	vst v63  }
0x46: {  	_ =	swait.ge [sflag:s25], $0x3E80  }
0x47: {  	[sflag:s25] =	ssyncset.done $0x0  }
0x48: {  	[sflag:s25] =	ssyncadd.s32 $0xFFFFC180  }
0x49: {  	[spmem:s2] =	stream.indirect.scatter.add.f32 [tilespmem:s28], [sflag:$0x3], $0x8, s24, s22, $0xb8;
	[tilespmem:$0x16040] =	vst v63  }
0x4a: {  	_ =	swait.ge [sflag:s26], $0x7D0  }
0x4b: {  	[sflag:s26] =	ssyncset.done $0x0  }
0x4c: {  	[sflag:s26] =	ssyncadd.s32 $0xFFFFF830  }
0x4d: {  	_ =	swait.ge [sflag:s26], $0x7D0  }
0x4e: {  	[sflag:s26] =	ssyncset.done $0x0  }
0x4f: {  	s0 =	simm.s32 $0x0;
	[sflag:s26] =	ssyncadd.s32 $0xFFFFF830  }
0x50: {  	[tilespmem:s23], [sflag:$0x2] =	stream.indirect.gather [hbm4b:s4+s22], $0x8, s3, s22, $0xb8;
	[tilespmem:$0x16040] =	vst v63  }
.LBB2_2:
0x51: {  	_ =	swait.ge [sflag:s29], $0x3E80  }
0x52: {  	[sflag:s29] =	ssyncset.done $0x0  }
0x53: {  	s1 =	sadd.s32 s0, s19;
	[sflag:s29] =	ssyncadd.s32 $0xFFFFC180  }
0x54: {  	[tilespmem:s22], [sflag:$0x1] =	stream.linear.gather [hbm4b:s1+s3], $0x7D0, $0x38;
	[tilespmem:$0x16040] =	vst v63  }
0x55: {  	s1 =	sadd.s32 s0, s18  }
0x56: {  	[tilespmem:s24], [sflag:$0x1] =	stream.linear.gather [hbm4b:s1+s3], $0x7D0, $0x38;
	[tilespmem:$0x16040] =	vst v63  }
0x57: {  	_ =	swait.ge [sflag:s25], $0x3E80  }
0x58: {  	[sflag:s25] =	ssyncset.done $0x0  }
0x59: {  	[sflag:s25] =	ssyncadd.s32 $0xFFFFC180  }
0x5a: {  	[spmem:s2] =	stream.indirect.scatter.add.f32 [tilespmem:s23], [sflag:$0x3], $0x8, s21, s22, $0xb8;
	[tilespmem:$0x16040] =	vst v63  }
0x5b: {  	_ =	swait.ge [sflag:s26], $0x7D0  }
0x5c: {  	[sflag:s26] =	ssyncset.done $0x0  }
0x5d: {  	[sflag:s26] =	ssyncadd.s32 $0xFFFFF830  }
0x5e: {  	_ =	swait.ge [sflag:s26], $0x7D0  }
0x5f: {  	p0 =	seq.s32 s0, $0x2CEC;
	[sflag:s26] =	ssyncset.done $0x0  }
.Ltmp2:
0x60: {  	[sflag:s26] =	ssyncadd.s32 $0xFFFFF830;
	(pc) =	sbr.rel @p0 .LBB2_4-.Ltmp2, $4  }
0x61: {  	[tilespmem:s28], [sflag:$0x2] =	stream.indirect.gather [hbm4b:s4+s22], $0x8, s22, s22, $0xb8;
	[tilespmem:$0x16040] =	vst v63  }
0x62: {  	_ =	swait.ge [sflag:s29], $0x3E80  }
0x63: {  	[sflag:s29] =	ssyncset.done $0x0  }
0x64: {  	[sflag:s29] =	ssyncadd.s32 $0xFFFFC180  }
0x65: {  	s1 =	sadd.s32 s0, s17  }
0x66: {  	[tilespmem:s3], [sflag:$0x1] =	stream.linear.gather [hbm4b:s1+s3], $0x7D0, $0x38;
	[tilespmem:$0x16040] =	vst v63  }
0x67: {  	s1 =	sadd.s32 s0, s16  }
0x68: {  	[tilespmem:s21], [sflag:$0x1] =	stream.linear.gather [hbm4b:s1+s3], $0x7D0, $0x38;
	[tilespmem:$0x16040] =	vst v63  }
0x69: {  	_ =	swait.ge [sflag:s25], $0x3E80  }
0x6a: {  	[sflag:s25] =	ssyncset.done $0x0  }
0x6b: {  	[sflag:s25] =	ssyncadd.s32 $0xFFFFC180  }
0x6c: {  	[spmem:s2] =	stream.indirect.scatter.add.f32 [tilespmem:s28], [sflag:$0x3], $0x8, s24, s22, $0xb8;
	[tilespmem:$0x16040] =	vst v63  }
0x6d: {  	_ =	swait.ge [sflag:s26], $0x7D0  }
0x6e: {  	[sflag:s26] =	ssyncset.done $0x0  }
.Ltmp3:
0x6f: {  	[sflag:s26] =	ssyncadd.s32 $0xFFFFF830;
	(pc) =	sbr.rel .LBB2_2-.Ltmp3, $4  }
0x70: {  	_ =	swait.ge [sflag:s26], $0x7D0  }
0x71: {  	[sflag:s26] =	ssyncset.done $0x0  }
0x72: {  	s0 =	sadd.s32 $0x1F4, s0;
	[sflag:s26] =	ssyncadd.s32 $0xFFFFF830  }
0x73: {  	[tilespmem:s23], [sflag:$0x2] =	stream.indirect.gather [hbm4b:s4+s22], $0x8, s3, s22, $0xb8;
	[tilespmem:$0x16040] =	vst v63  }
.LBB2_5:
0x74: {  	_ =	sfence.sel $0x180000  }
0x75: {  	[bflag:$0x0] =	sbarrier.arrive $0xFFFF  }
0x76: {  	_ =	strace $0x9000004D  }
0x77: {  	s0 =	stileid.u32;
	[bflag:$0x2] =	sbarrier.arrive $0xFFFF  }
0x78: {  	p0 =	sne.s32 s0, $0x0;
	s0 =	rddreg [dreg:$0x2]  }
0x79: {  	s0 =	sadd.s32 @!p0 $0x100000, s0  }
0x7a: {  	[sflag:s0] =	ssyncadd.tile.s32 @!p0 $0x1;
	_ =	shalt  }
.Lfunc_end2:
_tile_overlayer_lowered:
.L_overlay_start_2:
0x7b: {  	(tag) =	ssettag $0x2  }
0x7c: {  	s0 =	rddreg [dreg:$0x0];
	s2 =	stileid.u32  }
0x7d: {  	s1 =	rddreg [dreg:$0x1];
	p0 =	sne.s32 s2, $0x0  }
0x7e: {  	s3 =	rddreg [dreg:$0x2];
	[bflag:$0x3] =	sbarrier.arrive $0xFFFF;
	s2 =	simm.s32 @!p0 $0x1C04  }
0x7f: {  	[timem:s3], [sflag:s2] =	dma.local @!p0 [hbm:s0], s1  }
0x80: {  	s0 =	simm.s32 @!p0 $0x4  }
0x81: {  	_ =	swait.ge @!p0 [sflag:s0], s1  }
0x82: {  	s1 =	ssub.s32 @!p0 $0x0, s1;
	[sflag:s0] =	ssyncset.done @!p0 $0x0  }
0x83: {  	[sflag:s0] =	ssyncadd.s32 @!p0 s1  }
0x84: {  	[bflag:$0x3] =	sbarrier.arrive $0xFFFF  }
0x85: {  	_ =	shalt  }

// kernel: kernel.8.cloned.1.call-start
scs
__scs_entry_jumppad:
0x0: {  	(pc) =	sbr.rel $0x88, $3  }
0x1: {  	(tag) =	ssettag $0x0;
	lr =	simm.s32 $0x1  }
0x2: {  	[smem:$0x3F9B] =	sst lr;
	_ =	strace $0xD0000000  }
0x3: {  	_ = 	snop  }
0x4: {  	_ = 	snop  }
0x5: {  	_ = 	snop  }
0x6: {  	_ = 	snop  }
0x7: {  	_ = 	snop  }
__scs_overlays_trampoline_lowered:
0x8: {  	[smem:$0x3FAA] =	sst s0  }
0x9: {  	[smem:$0x3FAB] =	sst s1  }
0xa: {  	[smem:$0x3FAC] =	sst s2  }
0xb: {  	[smem:$0x3FAD] =	sst s3  }
0xc: {  	[smem:$0x3FAE] =	sst s4  }
0xd: {  	[smem:$0x3FAF] =	sst s5  }
0xe: {  	[smem:$0x3FB0] =	sst s6  }
0xf: {  	[smem:$0x3FB1] =	sst s7  }
0x10: {  	[smem:$0x3FB2] =	sst s8  }
0x11: {  	[smem:$0x3FB3] =	sst s9;
	s0 =	simm.s32 @!p0 $0x0  }
0x12: {  	s1 =	sld [smem:$0x3F99];
	s0 =	simm.s32 @p0 $0x1  }
0x13: {  	[smem:$0x3FB4] =	sst s0;
	s0 =	simm.s32 @!p1 $0x0  }
0x14: {  	s2 =	sld [smem:$0x3F98];
	s0 =	simm.s32 @p1 $0x1  }
0x15: {  	[smem:$0x3FB5] =	sst s0;
	s0 =	simm.s32 @!p2 $0x0  }
0x16: {  	s3 =	sld [smem:$0x3FDB];
	s0 =	simm.s32 @p2 $0x1  }
0x17: {  	s4 =	simm.s32 $0x1BF5;
	[smem:$0x3FB7] =	sst s0  }
0x18: {  	s0 =	sld [smem:$0x3F9A];
	_ =	swait.ge [sflag:s4], $0x0  }
0x19: {  	s7 =	sld [smem:$0x3F9B]  }
0x1a: {  	s8 =	sadd.s32 $0xFFFFE003, lr  }
0x1b: {  	s9 =	sadd.s32 $0xFFFFFEF7, lr;
	s5 =	simm.s32 $0xFFFFFFFF;
	p2 =	slt.u32 s8, $0xFFFFF086  }
0x1c: {  	p1 =	slt.u32 s9, $0xF7A;
	s5 =	simm.s32 @!p2 $0x0  }
0x1d: {  	s5 =	simm.s32 @p1 $0x1;
	p0 =	seq.s32 s7, s2  }
0x1e: {  	s7 =	smul.u32 @!p0 $0xF7A, s2;
	p2 =	seq.s32 @!p0 s5, $0x0  }
0x1f: {  	s9 =	smul.u32 $0xF7A, s1;
	s8 =	simm.s32 @!p0 $0x1BF5;
	p2 =	por !p2, p0  }
0x20: {  	[sflag:s8] =	ssyncset.s32 @!p0 $0xFFFFF086;
	s6 =	sadd.s32 @!p0 s3, s7;
	s7 =	simm.s32 @!p0 $0x108  }
0x21: {  	s3 =	sadd.s32 s3, s9;
	s6 =	sadd.s32 @!p0 $0x88, s6;
	s7 =	simm.s32 @p2 $0x1082  }
0x22: {  	[simem:s7], [sflag:s8] =	dma.local @!p0 [hbm:s6], $0xF7A  }
0x23: {  	s9 =	sor.u32 $0xD0000000, s2;
	s6 =	simm.s32 $0x108;
	_ =	swait.ge @!p0 [sflag:s8], $0x0  }
0x24: {  	s3 =	sadd.s32 $0x88, s3;
	s6 =	simm.s32 @!p1 $0x1082;
	[sflag:s4] =	ssyncset.s32 $0xFFFFF086  }
0x25: {  	[simem:s6], [sflag:s4] =	dma.local [hbm:s3], $0xF7A  }
0x26: {  	[smem:$0x3F9B] =	sst s1;
	(tag) =	ssettag s2;
	_ =	strace s9  }
0x27: {  	s1 =	sld [smem:$0x3FAB]  }
0x28: {  	s2 =	sld [smem:$0x3FAC]  }
0x29: {  	s4 =	sld [smem:$0x3FAE]  }
0x2a: {  	p0 =	seq.s32 s5, $0x0;
	s5 =	sld [smem:$0x3FAF]  }
0x2b: {  	s6 =	sld [smem:$0x3FB0]  }
0x2c: {  	s7 =	sld [smem:$0x3FB1]  }
0x2d: {  	s3 =	simm.s32 $0x108;
	s8 =	sld [smem:$0x3FB2]  }
0x2e: {  	s3 =	simm.s32 @!p0 $0x1082;
	s9 =	sld [smem:$0x3FB3]  }
0x2f: {  	lr =	sadd.s32 s0, s3;
	s0 =	sld [smem:$0x3FAA]  }
0x30: {  	s3 =	sld [smem:$0x3FAD]  }
0x31: {  	[smem:$0x3FB6] =	sst s10  }
0x32: {  	s10 =	sld [smem:$0x3FB4];
	_ =	sdelay $0x3  }
0x33: {  	p0 =	seq.s32 s10, $0x1;
	s10 =	sld [smem:$0x3FB6];
	_ =	sdelay $0x3  }
0x34: {  	[smem:$0x3FB6] =	sst s10  }
0x35: {  	s10 =	sld [smem:$0x3FB5];
	_ =	sdelay $0x3  }
0x36: {  	p1 =	seq.s32 s10, $0x1;
	s10 =	sld [smem:$0x3FB6];
	_ =	sdelay $0x3  }
0x37: {  	[smem:$0x3FB6] =	sst s10  }
0x38: {  	s10 =	sld [smem:$0x3FB7]  }
0x39: {  	_ = 	snop;
	(pc) =	sbr.ind lr, $3  }
0x3a: {  	_ = 	snop  }
0x3b: {  	_ = 	snop  }
0x3c: {  	p2 =	seq.s32 s10, $0x1;
	s10 =	sld [smem:$0x3FB6]  }
0x3d: {  	_ =	shalt  }
0x3e: {  	_ =	shalt  }
0x3f: {  	_ =	shalt  }
0x40: {  	_ =	shalt  }
0x41: {  	_ =	shalt  }
0x42: {  	_ =	shalt  }
0x43: {  	_ =	shalt  }
0x44: {  	_ =	shalt  }
0x45: {  	_ =	shalt  }
0x46: {  	_ =	shalt  }
0x47: {  	_ =	shalt  }
0x48: {  	_ =	shalt  }
0x49: {  	_ =	shalt  }
0x4a: {  	_ =	shalt  }
0x4b: {  	_ =	shalt  }
0x4c: {  	_ =	shalt  }
0x4d: {  	_ =	shalt  }
0x4e: {  	_ =	shalt  }
0x4f: {  	_ =	shalt  }
0x50: {  	_ =	shalt  }
0x51: {  	_ =	shalt  }
0x52: {  	_ =	shalt  }
0x53: {  	_ =	shalt  }
0x54: {  	_ =	shalt  }
0x55: {  	_ =	shalt  }
0x56: {  	_ =	shalt  }
0x57: {  	_ =	shalt  }
0x58: {  	_ =	shalt  }
0x59: {  	_ =	shalt  }
0x5a: {  	_ =	shalt  }
0x5b: {  	_ =	shalt  }
0x5c: {  	_ =	shalt  }
0x5d: {  	_ =	shalt  }
0x5e: {  	_ =	shalt  }
0x5f: {  	_ =	shalt  }
0x60: {  	_ =	shalt  }
0x61: {  	_ =	shalt  }
0x62: {  	_ =	shalt  }
0x63: {  	_ =	shalt  }
0x64: {  	_ =	shalt  }
0x65: {  	_ =	shalt  }
0x66: {  	_ =	shalt  }
0x67: {  	_ =	shalt  }
0x68: {  	_ =	shalt  }
0x69: {  	_ =	shalt  }
0x6a: {  	_ =	shalt  }
0x6b: {  	_ =	shalt  }
0x6c: {  	_ =	shalt  }
0x6d: {  	_ =	shalt  }
0x6e: {  	_ =	shalt  }
0x6f: {  	_ =	shalt  }
0x70: {  	_ =	shalt  }
0x71: {  	_ =	shalt  }
0x72: {  	_ =	shalt  }
0x73: {  	_ =	shalt  }
0x74: {  	_ =	shalt  }
0x75: {  	_ =	shalt  }
0x76: {  	_ =	shalt  }
0x77: {  	_ =	shalt  }
0x78: {  	_ =	shalt  }
0x79: {  	_ =	shalt  }
0x7a: {  	_ =	shalt  }
0x7b: {  	_ =	shalt  }
0x7c: {  	_ =	shalt  }
0x7d: {  	_ =	shalt  }
0x7e: {  	_ =	shalt  }
0x7f: {  	_ =	shalt  }
0x80: {  	_ =	shalt  }
0x81: {  	_ =	shalt  }
0x82: {  	_ =	shalt  }
0x83: {  	_ =	shalt  }
0x84: {  	_ =	shalt  }
0x85: {  	_ =	shalt  }
0x86: {  	_ =	shalt  }
0x87: {  	_ =	shalt  }
.Lfunc_end0:
.L_simem_size_0:
called_computation_lowered:
.L_overlay_start_0:
0x88: {  	s2 =	sld [smem:$0x3FD9]  }
0x89: {  	s3 =	sld [smem:$0x3FFE];
	_ =	sdelay $0x1  }
0x8a: {  	s1 =	srdreg.scid  }
0x8b: {  	s0 =	sand.u32 $0x1, s1  }
0x8c: {  	s17 =	sshll.u32 s0, $0xA;
	s2 =	sadd.s32 s3, s2  }
0x8d: {  	s2 =	sadd.s32 s2, s17  }
0x8e: {  	[smem:$0x3FC2] =	sst s2  }
0x8f: {  	_ = 	snop  }
0x90: {  	s2 =	sld [smem:$0x3FD0];
	(tm) =	ssettm $0x1  }
0x91: {  	s18 =	sld [smem:$0x3FFB];
	_ =	sdelay $0x3  }
0x92: {  	_ =	strace s18  }
0x93: {  	s3 =	sld [smem:$0x3FFC];
	_ =	sdelay $0x3  }
0x94: {  	_ =	strace s3  }
0x95: {  	s3 =	sld [smem:$0x3FFD];
	_ =	sdelay $0x3  }
0x96: {  	_ =	strace s3  }
0x97: {  	_ =	strace $0x8FFFFFFF  }
0x98: {  	s19 =	sld [smem:$0x3FDB];
	_ =	sdelay $0x1  }
0x99: {  	s4 =	simm.s32 $_scs_section_size  }
0x9a: {  	s5 =	simm.s32 $_size__tile_overlayer_lowered;
	s6 =	simm.s32 $_tile_overlayer_lowered  }
0x9b: {  	s22 =	simm.s32 $0x1BFF;
	s21 =	sshll.u32 s6, $0x1;
	s3 =	sadd.s32 s4, s19  }
0x9c: {  	s7 =	simm.s32 $0x0;
	s20 =	sshll.u32 s5, $0x1;
	s5 =	sadd.s32 s21, s3  }
0x9d: {  	[timem:s7], [sflag:s22] =	dma.local [hbm:s5], s20  }
0x9e: {  	_ =	swait.ge [sflag:s22], s20  }
0x9f: {  	s4 =	ssub.s32 $0x0, s20;
	[sflag:s22] =	ssyncset.done $0x0  }
0xa0: {  	[sflag:s22] =	ssyncadd.s32 s4;
	_ =	sdelay $0x1  }
0xa1: {  	s23 =	simm.s32 $0x1B8B  }
0xa2: {  	_ =	swait.ge [sflag:s23], $0x1  }
0xa3: {  	[sflag:s23] =	ssyncset.done $0x0  }
0xa4: {  	s25 =	simm.s32 $0x1B8E;
	s24 =	sld [smem:$0x3FFE];
	[sflag:s23] =	ssyncadd.s32 $0xFFFFFFFF  }
0xa5: {  	s26 =	simm.s32 $execute0_lowered;
	[smem:$0x3FD2] =	sst s25  }
0xa6: {  	s5 =	sshll.u32 s26, $0x1;
	_ =	strace $0x80000046;
	[dreg:$0x1] =	wrdreg $0xFFFFFFFF  }
0xa7: {  	s28 =	simm.s32 $_size_execute0_lowered;
	s3 =	sadd.s32 s3, s5;
	[dreg:$0x0] =	wrdreg $0x0  }
0xa8: {  	s5 =	sshll.u32 s28, $0x1;
	[dreg:$0x2] =	wrdreg s3  }
0xa9: {  	[dreg:$0x3] =	wrdreg s5  }
0xaa: {  	[dreg:$0x4] =	wrdreg $0xC0  }
0xab: {  	_ =	task [dreg:s7], $0x5FFFF  }
0xac: {  	[dreg:$0x1] =	wrdreg $0xFFFFFFFF  }
0xad: {  	[dreg:$0x0] =	wrdreg $0x60  }
0xae: {  	[dreg:$0x2] =	wrdreg s24  }
0xaf: {  	[dreg:$0x3] =	wrdreg s2  }
0xb0: {  	[dreg:$0x4] =	wrdreg $0x4E200  }
0xb1: {  	[dreg:$0x5] =	wrdreg $0x9  }
0xb2: {  	_ =	task.clear_ibuf [dreg:s7], $0x6FFFF;
	_ =	strace $0x90000046  }
0xb3: {  	s29 =	simm.s32 $0x9;
	_ =	strace $0x80000048  }
0xb4: {  	_ =	swait.ge [sflag:s29], $0x1  }
0xb5: {  	[sflag:s29] =	ssyncadd.s32 $0xFFFFFFFF  }
0xb6: {  	_ =	strace $0x90000048  }
0xb7: {  	_ =	sfence  }
0xb8: {  	s30 =	sld [smem:$0x0];
	_ =	sdelay $0x2  }
0xb9: {  	s31 =	sshll.u32 s1, $0xD;
	s1 =	sshrl.u32 s1, $0x2  }
0xba: {  	s3 =	sand.u32 $0x4000, s31;
	s1 =	sadd.s32 s1, s30  }
0xbb: {  	s0 =	sor.u32 s3, s0;
	s1 =	sshll.u32 s1, $0x11  }
0xbc: {  	s0 =	sor.u32 s1, s0  }
0xbd: {  	s0 =	sadd.s32 $0x8F2B, s0  }
0xbe: {  	[sflag:s0] =	ssyncadd.remote.s32 $0x1  }
0xbf: {  	_ =	sfence.sel $0xFFFF  }
0xc0: {  	[dreg:$0x0] =	wrdreg $0xFFFFFFFF;
	(pc) =	sbr.abs _section_cstart, $3  }
0xc1: {  	[dreg:$0x1] =	wrdreg $0xFFFFFFFF  }
0xc2: {  	_ =	task.clear_ibuf [dreg:s7], $0x2FFFF;
	_ =	strace $0x9FFFFFFF  }
0xc3: {  	(tm) =	ssettm $0x7FFFFFFF  }
tec
execute0_lowered:
.L_overlay_start_1:
0x0: {  	(tag) =	ssettag $0x1  }
0x1: {  	s5 =	rddreg [dreg:$0x0]  }
0x2: {  	s2 =	rddreg [dreg:$0x1]  }
0x3: {  	s3 =	rddreg [dreg:$0x2]  }
0x4: {  	s0 =	rddreg [dreg:$0x3];
	s4 =	simm.s32 $0x0;
	s1 =	stileid.u32  }
0x5: {  	s7 =	srdreg.scid;
	s17 =	simm.s32 $0x7D0;
	s18 =	simm.s32 $0x1  }
0x6: {  	s19 =	simm.s32 $0x2;
	s20 =	simm.s32 $0x0;
	s6 =	smul.u32 $0xC400, s1  }
0x7: {  	[smem:$0x7FF] =	sst s4;
	s13 =	sadd.s32 $0x64200, s5;
	s10 =	smul.u32 $0x1880, s1  }
0x8: {  	s7 =	sand.u32 $0x1, s7;
	s9 =	sshll.u32 s1, $0x1;
	s15 =	smul.u32 $0x30D40, s1  }
0x9: {  	s26 =	sshll.u32 s1, $0x6;
	_ =	strace $0x80000047;
	s25 =	smul.u32 $0x18800, s7  }
0xa: {  	s11 =	ssub.s32 $0x2, s7;
	s9 =	sor.u32 s7, s9;
	s16 =	smul.u32 $0x186A0, s7  }
0xb: {  	s8 =	sshrl.u32 s6, $0x3;
	s12 =	sshrl.u32 s11, $0x1;
	s9 =	smul.u32 $0x186A0, s9  }
0xc: {  	s10 =	sadd.s32 s10, s5;
	s14 =	sadd.s32 s6, s3;
	s6 =	sor.u32 $0x1C03, s26  }
0xd: {  	s8 =	sadd.s32 s8, s5;
	s11 =	ssub.s32 s11, s12;
	s29 =	sadd.s32 s25, s10  }
0xe: {  	s30 =	sadd.s32 s16, s15;
	s14 =	sshrl.u32 s14, $0x3;
	s16 =	simm.s32 $0xFA0  }
.Ltmp0:
0xf: {  	s5 =	sadd.s32 $0xC5E00, s8;
	s28 =	sshrl.u32 s9, $0x3;
	(pc) =	sbr.rel .LBB2_1-.Ltmp0, $4  }
0x10: {  	s8 =	sadd.s32 $0xDE600, s29;
	s9 =	smax.u32 s11, $0x1;
	s31 =	sadd.s32 $0x1F40, s30  }
0x11: {  	s15 =	sadd.s32 $0x1770, s30;
	s7 =	sadd.s32 s13, s28;
	s12 =	sshrl.u32 s31, $0x3  }
0x12: {  	s15 =	sshrl.u32 s15, $0x3;
	s10 =	sadd.s32 $0xFA, s7;
	s11 =	sadd.s32 $0x1F4, s7  }
0x13: {  	s12 =	sadd.s32 s12, s13;
	s13 =	sadd.s32 s15, s13;
	s15 =	simm.s32 $0x3  }
.LBB2_4:
0x14: {  	[spmem:s3] =	stream.indirect.scatter.add.f32 [tilespmem:s16], [sflag:$0x2], $0x8, s17, s17, $0xb8;
	[tilespmem:$0x11220] =	vst v63  }
0x15: {  	_ =	swait.ge [sflag:s19], $0x3E80  }
0x16: {  	s20 =	sadd.s32 $0x1, s20;
	[sflag:s19] =	ssyncset.done $0x0  }
0x17: {  	p0 =	sne.s32 s20, s9;
	[sflag:s19] =	ssyncadd.s32 $0xFFFFC180  }
.Ltmp1:
0x18: {  	[bflag:$0x0] =	sbarrier.arrive $0xFFFF;
	(pc) =	sbr.rel @!p0 .LBB2_5-.Ltmp1, $4  }
0x19: {  	[hbm:s8], [sflag:s6] =	dma.local [spmem:s14], $0x1880  }
0x1a: {  	_ =	swait.ge [sflag:s15], $0x1880  }
0x1b: {  	[sflag:s15] =	ssyncset.done $0x0  }
0x1c: {  	[sflag:s15] =	ssyncadd.s32 $0xFFFFE780  }
.LBB2_1:
0x1d: {  	[spmem:s14], [sflag:s6] =	dma.local [hbm:s5], $0x1880  }
0x1e: {  	_ =	swait.ge [sflag:s15], $0x1880  }
0x1f: {  	[sflag:s15] =	ssyncset.done $0x0  }
0x20: {  	[sflag:s15] =	ssyncadd.s32 $0xFFFFE780  }
0x21: {  	[tilespmem:s16], [sflag:$0x3] =	stream.linear.gather [hbm4b:s2+s4], $0x3E80, $0x38;
	[tilespmem:$0x11220] =	vst v63  }
0x22: {  	_ =	swait.ge [sflag:s15], $0x3E80  }
0x23: {  	[sflag:s15] =	ssyncset.done $0x0  }
0x24: {  	[sflag:s15] =	ssyncadd.s32 $0xFFFFC180  }
0x25: {  	[bflag:$0x0] =	sbarrier.arrive $0xFFFF  }
0x26: {  	[tilespmem:s4], [sflag:$0x3] =	stream.linear.gather [hbm4b:s7+s4], $0x7D0, $0x38;
	[tilespmem:$0x11220] =	vst v63  }
0x27: {  	_ =	swait.ge [sflag:s15], $0x7D0  }
0x28: {  	[sflag:s15] =	ssyncset.done $0x0  }
0x29: {  	[sflag:s15] =	ssyncadd.s32 $0xFFFFF830  }
0x2a: {  	[tilespmem:s17], [sflag:$0x1] =	stream.linear.gather [hbm4b:s10+s4], $0x7D0, $0x38;
	[tilespmem:$0x11220] =	vst v63  }
0x2b: {  	_ = 	snop  }
0x2c: {  	[spmem:s3] =	stream.indirect.scatter.add.f32 [tilespmem:s16], [sflag:$0x2], $0x8, s4, s17, $0xb8;
	[tilespmem:$0x11220] =	vst v63  }
0x2d: {  	_ =	swait.ge [sflag:s18], $0x7D0  }
0x2e: {  	[sflag:s18] =	ssyncset.done $0x0  }
0x2f: {  	[sflag:s18] =	ssyncadd.s32 $0xFFFFF830  }
0x30: {  	_ =	swait.ge [sflag:s19], $0x3E80  }
0x31: {  	[sflag:s19] =	ssyncset.done $0x0  }
0x32: {  	[sflag:s19] =	ssyncadd.s32 $0xFFFFC180  }
0x33: {  	[tilespmem:s4], [sflag:$0x1] =	stream.linear.gather [hbm4b:s11+s4], $0x7D0, $0x38;
	[tilespmem:$0x11220] =	vst v63  }
0x34: {  	_ = 	snop  }
0x35: {  	[spmem:s3] =	stream.indirect.scatter.add.f32 [tilespmem:s16], [sflag:$0x2], $0x8, s17, s17, $0xb8;
	[tilespmem:$0x11220] =	vst v63  }
0x36: {  	_ =	swait.ge [sflag:s18], $0x7D0  }
0x37: {  	[sflag:s18] =	ssyncset.done $0x0  }
0x38: {  	s21 =	simm.s32 $0x0;
	[sflag:s18] =	ssyncadd.s32 $0xFFFFF830  }
.LBB2_2:
0x39: {  	_ =	swait.ge [sflag:s19], $0x3E80  }
0x3a: {  	[sflag:s19] =	ssyncset.done $0x0  }
0x3b: {  	s22 =	sadd.s32 s21, s13;
	[sflag:s19] =	ssyncadd.s32 $0xFFFFC180  }
0x3c: {  	[tilespmem:s17], [sflag:$0x1] =	stream.linear.gather [hbm4b:s22+s4], $0x7D0, $0x38;
	[tilespmem:$0x11220] =	vst v63  }
0x3d: {  	_ = 	snop  }
0x3e: {  	[spmem:s3] =	stream.indirect.scatter.add.f32 [tilespmem:s16], [sflag:$0x2], $0x8, s4, s17, $0xb8;
	[tilespmem:$0x11220] =	vst v63  }
0x3f: {  	p0 =	seq.s32 s21, $0x2CEC;
	_ =	swait.ge [sflag:s18], $0x7D0  }
.Ltmp2:
0x40: {  	[sflag:s18] =	ssyncset.done $0x0;
	(pc) =	sbr.rel @p0 .LBB2_4-.Ltmp2, $4  }
0x41: {  	[sflag:s18] =	ssyncadd.s32 $0xFFFFF830  }
0x42: {  	_ =	swait.ge [sflag:s19], $0x3E80  }
0x43: {  	[sflag:s19] =	ssyncset.done $0x0  }
0x44: {  	[sflag:s19] =	ssyncadd.s32 $0xFFFFC180  }
0x45: {  	s22 =	sadd.s32 s21, s12  }
0x46: {  	[tilespmem:s4], [sflag:$0x1] =	stream.linear.gather [hbm4b:s22+s4], $0x7D0, $0x38;
	[tilespmem:$0x11220] =	vst v63  }
.Ltmp3:
0x47: {  	_ = 	snop;
	(pc) =	sbr.rel .LBB2_2-.Ltmp3, $4  }
0x48: {  	[spmem:s3] =	stream.indirect.scatter.add.f32 [tilespmem:s16], [sflag:$0x2], $0x8, s17, s17, $0xb8;
	[tilespmem:$0x11220] =	vst v63  }
0x49: {  	_ =	swait.ge [sflag:s18], $0x7D0  }
0x4a: {  	[sflag:s18] =	ssyncset.done $0x0  }
0x4b: {  	s21 =	sadd.s32 $0x1F4, s21;
	[sflag:s18] =	ssyncadd.s32 $0xFFFFF830  }
.LBB2_5:
0x4c: {  	_ =	sfence.sel $0x180000  }
0x4d: {  	[bflag:$0x0] =	sbarrier.arrive $0xFFFF  }
0x4e: {  	p0 =	sne.s32 s1, $0x0;
	_ =	strace $0x90000047  }
0x4f: {  	s0 =	sadd.s32 @!p0 $0x100000, s0;
	[bflag:$0x2] =	sbarrier.arrive $0xFFFF  }
0x50: {  	[sflag:s0] =	ssyncadd.tile.s32 @!p0 $0x1;
	_ =	shalt  }
.Lfunc_end2:
_tile_overlayer_lowered:
.L_overlay_start_2:
0x51: {  	(tag) =	ssettag $0x2  }
0x52: {  	s0 =	rddreg [dreg:$0x0];
	s2 =	stileid.u32  }
0x53: {  	s1 =	rddreg [dreg:$0x1];
	p0 =	sne.s32 s2, $0x0  }
0x54: {  	s3 =	rddreg [dreg:$0x2];
	[bflag:$0x3] =	sbarrier.arrive $0xFFFF;
	s2 =	simm.s32 @!p0 $0x1C03  }
0x55: {  	[timem:s3], [sflag:s2] =	dma.local @!p0 [hbm:s0], s1  }
0x56: {  	s0 =	simm.s32 @!p0 $0x3  }
0x57: {  	_ =	swait.ge @!p0 [sflag:s0], s1  }
0x58: {  	s1 =	ssub.s32 @!p0 $0x0, s1;
	[sflag:s0] =	ssyncset.done @!p0 $0x0  }
0x59: {  	[sflag:s0] =	ssyncadd.s32 @!p0 s1  }
0x5a: {  	[bflag:$0x3] =	sbarrier.arrive $0xFFFF  }
0x5b: {  	_ =	shalt  }

</sc_bundles>
